<compile_context>
chip_gen: v7x
topology: tpu7x:2x2x1
jax: 0.10.2.dev20260603
libtpu: 0.0.44.dev20260713+nightly
codegen_flags: <defaults>
</compile_context>

<pallas_src>
import functools
import jax
import jax.numpy as jnp
from jax import lax
from jax.experimental import pallas as pl
from jax.experimental.pallas import tpu as pltpu
from jax.experimental.pallas import tpu_sc as plsc

KN = 16
NH = 8
R = 256
T = R // KN


def _knn_body(x_ref, idx_ref, *, nb, n, c):
    b = pl.program_id(0)
    i = pl.program_id(1)
    X = x_ref[0]
    xb = x_ref[0, :, pl.ds(i * nb, nb)]
    dot = lax.dot_general(xb, X, (((0,), (0,)), ((), ())),
                          preferred_element_type=jnp.float32)
    inner = -2.0 * dot
    xx_row = jnp.sum(X * X, axis=0, keepdims=True)
    ones = jnp.ones((c, 1), dtype=jnp.float32)
    xx_col = lax.dot_general(xb * xb, ones, (((0,), (0,)), ((), ())),
                             preferred_element_type=jnp.float32)
    s = (-xx_col - inner) - xx_row
    iota_l = lax.broadcasted_iota(jnp.int32, (nb, n), 1)
    cols = []
    for _ in range(KN):
        m = jnp.max(s, axis=1, keepdims=True)
        a = jnp.min(jnp.where(s == m, iota_l, n), axis=1, keepdims=True)
        cols.append(a)
        s = jnp.where(iota_l == a, -jnp.inf, s)
    idx_ref[0] = jnp.concatenate(cols, axis=1) + b * n


def _make_gather(bnk, d):
    info = plsc.get_sparse_core_info()
    nw = info.num_cores * info.num_subcores
    per_w = bnk // nw
    ch = 128
    nch = per_w // ch
    mesh = plsc.VectorSubcoreMesh(core_axis_name="c", subcore_axis_name="s")

    @functools.partial(
        pl.kernel, mesh=mesh,
        out_type=jax.ShapeDtypeStruct((bnk, d), jnp.float32),
        scratch_types=[
            pltpu.VMEM((ch,), jnp.int32),
            pltpu.VMEM((ch, d), jnp.float32),
            pltpu.SemaphoreType.DMA,
        ],
    )
    def gk(table_hbm, idx_hbm, out_hbm, idx_v, rows_v, sem):
        wid = lax.axis_index("s") * info.num_cores + lax.axis_index("c")
        base = wid * per_w

        def body(i, carry):
            off = pl.multiple_of(base + i * ch, ch)
            pltpu.sync_copy(idx_hbm.at[pl.ds(off, ch)], idx_v)
            pltpu.async_copy(table_hbm.at[idx_v], rows_v, sem).wait()
            pltpu.sync_copy(rows_v, out_hbm.at[pl.ds(off, ch)])
            return carry

        lax.fori_loop(0, nch, body, 0)

    return gk


def _attn_body(x_ref, g_ref, qkvw_ref, projw_ref, projb_ref, out_ref,
               *, n, c):
    t = pl.program_id(1)
    X = x_ref[0]
    gT = jnp.transpose(g_ref[...], (1, 0))
    cen = (lax.broadcasted_iota(jnp.int32, (n, T), 0) ==
           t * T + lax.broadcasted_iota(jnp.int32, (n, T), 1)
           ).astype(jnp.float32)
    Xc = lax.dot_general(X, cen, (((1,), (0,)), ((), ())),
                         preferred_element_type=jnp.float32)
    rep = (lax.broadcasted_iota(jnp.int32, (T, R), 1) // KN ==
           lax.broadcasted_iota(jnp.int32, (T, R), 0)).astype(jnp.float32)
    x_repT = lax.dot_general(Xc, rep, (((1,), (0,)), ((), ())),
                             preferred_element_type=jnp.float32)
    fT = gT - x_repT
    qkvT = lax.dot_general(qkvw_ref[...], fT, (((1,), (0,)), ((), ())),
                           preferred_element_type=jnp.float32)
    scale = (c // NH) ** -0.5
    hd = c // NH
    bmf = (lax.broadcasted_iota(jnp.int32, (R, R), 0) // KN ==
           lax.broadcasted_iota(jnp.int32, (R, R), 1) // KN
           ).astype(jnp.float32)
    ones1 = jnp.ones((1, R), dtype=jnp.float32)
    ia = lax.broadcasted_iota(jnp.int32, (R, 2 * T), 0)
    ib = lax.broadcasted_iota(jnp.int32, (R, 2 * T), 1)
    sils = [((ia // KN == ib // 2) &
             (ia % KN == (ib % 2) * 8 + il)).astype(jnp.float32)
            for il in range(8)]
    outs = []
    for h in range(NH):
        qh = qkvT[h * hd:(h + 1) * hd] * scale
        kh = qkvT[c + h * hd:c + (h + 1) * hd]
        vh = qkvT[2 * c + h * hd:2 * c + (h + 1) * hd]
        s = lax.dot_general(kh, qh, (((0,), (0,)), ((), ())),
                            preferred_element_type=jnp.float32)
        e = jnp.exp(s) * bmf
        colsum = lax.dot_general(ones1, e, (((1,), (0,)), ((), ())),
                                 preferred_element_type=jnp.float32)
        ovh = lax.dot_general(vh, e, (((1,), (0,)), ((), ())),
                              preferred_element_type=jnp.float32) / colsum
        blocks = [lax.dot_general(ovh, sil, (((1,), (0,)), ((), ())),
                                  preferred_element_type=jnp.float32)
                  for sil in sils]
        outs.append(jnp.concatenate(blocks, axis=0))
    yall = jnp.concatenate(outs, axis=1)
    pa = lax.broadcasted_iota(jnp.int32, (R, R), 0)
    pb = lax.broadcasted_iota(jnp.int32, (R, R), 1)
    perm = ((pa // (2 * T) == (pb % KN) // 2) &
            ((pa % (2 * T)) // 2 == pb // KN) &
            (pa % 2 == pb % 2)).astype(jnp.float32)
    outT = lax.dot_general(yall, perm, (((1,), (0,)), ((), ())),
                           preferred_element_type=jnp.float32)
    oT = lax.dot_general(projw_ref[...], outT, (((1,), (0,)), ((), ())),
                         preferred_element_type=jnp.float32) + projb_ref[...]
    out_ref[0] = jnp.concatenate([oT, x_repT], axis=0)


def kernel(x, qkv_w, proj_w, proj_b):
    B, C, N = x.shape
    nb = min(256, N)
    knn = pl.pallas_call(
        functools.partial(_knn_body, nb=nb, n=N, c=C),
        grid=(B, N // nb),
        in_specs=[pl.BlockSpec((1, C, N), lambda b, i: (b, 0, 0))],
        out_specs=pl.BlockSpec((1, nb, KN), lambda b, i: (b, i, 0)),
        out_shape=jax.ShapeDtypeStruct((B, N, KN), jnp.int32),
    )
    idxg = knn(x)
    xt_flat = jnp.transpose(x, (0, 2, 1)).reshape(B * N, C)
    g = _make_gather(B * N * KN, C)(xt_flat, idxg.reshape(-1))
    nblk = (N * KN) // R
    pb2 = proj_b.reshape(C, 1)
    attn = pl.pallas_call(
        functools.partial(_attn_body, n=N, c=C),
        grid=(B, nblk),
        in_specs=[
            pl.BlockSpec((1, C, N), lambda b, i: (b, 0, 0)),
            pl.BlockSpec((R, C), lambda b, i, _nblk=nblk: (b * _nblk + i, 0)),
            pl.BlockSpec((3 * C, C), lambda b, i: (0, 0)),
            pl.BlockSpec((C, C), lambda b, i: (0, 0)),
            pl.BlockSpec((C, 1), lambda b, i: (0, 0)),
        ],
        out_specs=pl.BlockSpec((1, 2 * C, R), lambda b, i: (b, 0, i)),
        out_shape=jax.ShapeDtypeStruct((B, 2 * C, N * KN), jnp.float32),
    )
    y = attn(x, g, qkv_w, proj_w, pb2)
    return y.reshape(B, 2 * C, N, KN)

# --- scband reference (transcript-rebuilt; emitter-appended) ---
"""Pipeline reference for scband-edge-attn-feature-22892175688382 (READ-ONLY COPY).

The authoritative reference and input builder live on the scoring server;
editing this copy changes nothing except your own understanding.
"""

import jax, jax.numpy as jnp
import numpy as np

B, C, N = 4, 128, 2048
K_NEIGH = 16
NUM_HEADS = 8


def setup_inputs(seed: int = 0) -> dict:
    key = jax.random.key(seed)
    k1, k2, k3 = jax.random.split(key, 3)
    x = jax.random.normal(k1, (B, C, N), dtype=jnp.float32)
    qkv_w = jax.random.normal(k2, (3 * C, C), dtype=jnp.float32) * 0.02
    proj_w = jax.random.normal(k3, (C, C), dtype=jnp.float32) * 0.02
    proj_b = jnp.zeros((C,), dtype=jnp.float32)
    return {"x": x, "qkv_w": qkv_w, "proj_w": proj_w, "proj_b": proj_b}


def _knn(x, k):
    # x: [B, C, N]
    inner = -2.0 * jnp.einsum('bcn,bcm->bnm', x, x)
    xx = jnp.sum(x ** 2, axis=1, keepdims=True)  # [B, 1, N]
    pairwise_distance = -xx - inner - jnp.transpose(xx, (0, 2, 1))
    idx = jax.lax.top_k(pairwise_distance, k)[1]  # [B, N, k]
    return idx


def reference(x, qkv_w, proj_w, proj_b):
    b, c, n = x.shape
    k = K_NEIGH
    # torch.no_grad block: indices only
    idx = _knn(jax.lax.stop_gradient(x), k)  # [B, N, k]
    idx_base = jnp.arange(b, dtype=idx.dtype).reshape(-1, 1, 1) * n
    idx_flat = (idx + idx_base).reshape(-1)
    xt = jnp.transpose(x, (0, 2, 1))  # [B, N, C] (contiguous)
    feature = jnp.take(xt.reshape(b * n, c), idx_flat, axis=0)
    feature = feature.reshape(b, n, k, c)
    x_rep = jnp.broadcast_to(xt[:, :, None, :], (b, n, k, c))
    feature = feature - x_rep
    # Attention (eval mode, dropout p for attn/proj is 0.0 per module config)
    head_dim = c // NUM_HEADS
    scale = head_dim ** (-0.5)
    qkv = feature @ qkv_w.T  # [B, N, k, 3C]
    qkv = qkv.reshape(b, n, k, 3, NUM_HEADS, head_dim)
    qkv = jnp.transpose(qkv, (3, 0, 4, 1, 2, 5))  # [3, B, H, N, k, hd]
    Q, Kt, V = qkv[0], qkv[1], qkv[2]
    attn = (Q @ jnp.swapaxes(Kt, -2, -1)) * scale  # [B, H, N, k, k]
    attn = jax.nn.softmax(attn, axis=-1)
    out = attn @ V  # [B, H, N, k, hd]
    out = jnp.transpose(out, (0, 2, 1, 3, 4)).reshape(b, n, k, c)
    out = out @ proj_w.T + proj_b  # [B, N, k, C]
    feature = jnp.concatenate([out, x_rep], axis=3)  # [B, N, k, 2C]
    return jnp.transpose(feature, (0, 3, 1, 2))  # [B, 2C, N, k]

if __name__ == "__main__":
    import jax
    _d = setup_inputs()
    print(jax.jit(kernel)(*tuple(_d.values())))

</pallas_src>

<mosaic_0001>
#map = affine_map<(d0, d1) -> (0, 0)>
#map1 = affine_map<(d0, d1) -> (0)>
module attributes {stable_mosaic.version = 14 : i64} {
  func.func @gk(%arg0: i32, %arg1: i32, %arg2: memref<8192x128xf32, #tpu.memory_space<hbm>>, %arg3: memref<131072xi32, #tpu.memory_space<hbm>>, %arg4: memref<131072x128xf32, #tpu.memory_space<hbm>>, %arg5: memref<128xi32, #tpu.memory_space<vmem>>, %arg6: memref<128x128xf32, #tpu.memory_space<vmem>>, %arg7: memref<!tpu.dma_semaphore, #tpu.memory_space<semaphore_mem>>) attributes {dimension_semantics = [#tpu.dimension_semantics<core_parallel>, #tpu.dimension_semantics<subcore_parallel>], iteration_bounds = array<i64: 2, 16>, scalar_prefetch = 0 : i64, scratch_operands = 3 : i64, tpu.core_type = #tpu.core_type<sc_vector_subcore>, window_params = [{transform_indices = #map}, {transform_indices = #map1}, {transform_indices = #map}]} {
    %mul3A = arith.constant 2 : i32
    %mul3A_0 = arith.muli %arg1, %mul3A : i32
    %add3A = arith.addi %mul3A_0, %arg0 : i32
    %mul3A_1 = arith.constant 4096 : i32
    %mul3A_2 = arith.muli %add3A, %mul3A_1 : i32
    %scan3A = arith.constant 0 : i32
    %scan3A_3 = arith.constant 0 : i32
    %scan3A_4 = arith.constant 32 : i32
    %scan3A_5 = arith.addi %scan3A_3, %scan3A_4 : i32
    %scan3A_6 = arith.constant 1 : i32
    scf.for %scan3A_8 = %scan3A_3 to %scan3A_5 step %scan3A_6  : i32 {
      %mul3A_9 = arith.constant 128 : i32
      %mul3A_10 = arith.muli %scan3A_8, %mul3A_9 : i32
      %add3A_11 = arith.addi %mul3A_2, %mul3A_10 : i32
      %multiple_of3A = tpu.assume_multiple %add3A_11, 128 : i32
      "tpu.region"() ({
        %run_scoped3A = tpu.sem_alloc : memref<!tpu.dma_semaphore, #tpu.memory_space<semaphore_mem>>
        %dma_start3A_16 = tpu.memref_slice %arg3[%multiple_of3A] : memref<131072xi32, #tpu.memory_space<hbm>> -> memref<128xi32, #tpu.memory_space<hbm>>
        %dma_start3A_17 = tpu.memref_slice %arg3[%multiple_of3A] : memref<131072xi32, #tpu.memory_space<hbm>> -> memref<128xi32, #tpu.memory_space<hbm>>
        tpu.enqueue_dma source(%dma_start3A_17 : memref<128xi32, #tpu.memory_space<hbm>>) target(%arg5 : memref<128xi32, #tpu.memory_space<vmem>>) target_semaphore(%run_scoped3A : memref<!tpu.dma_semaphore, #tpu.memory_space<semaphore_mem>>)
        %dma_wait3A_18 = tpu.memref_slice %arg3[%multiple_of3A] : memref<131072xi32, #tpu.memory_space<hbm>> -> memref<128xi32, #tpu.memory_space<hbm>>
        %dma_wait3A_19 = tpu.memref_slice %arg3[%multiple_of3A] : memref<131072xi32, #tpu.memory_space<hbm>> -> memref<128xi32, #tpu.memory_space<hbm>>
        tpu.wait_dma2 semaphore(%run_scoped3A : memref<!tpu.dma_semaphore, #tpu.memory_space<semaphore_mem>>) src(%dma_wait3A_19 : memref<128xi32, #tpu.memory_space<hbm>>) dst(%arg5 : memref<128xi32, #tpu.memory_space<vmem>>)
        tpu.yield
      }) : () -> ()
      %dma_start3A = arith.constant 0 : i32
      %dma_start3A_12 = arith.constant 0 : i32
      %dma_start3A_13 = tpu.memref_slice %arg2[%dma_start3A, %dma_start3A_12] : memref<8192x128xf32, #tpu.memory_space<hbm>> -> memref<8192x128xf32, #tpu.memory_space<hbm>>
      tpu.enqueue_indirect_dma source(%dma_start3A_13 : memref<8192x128xf32, #tpu.memory_space<hbm>>) target(%arg6 : memref<128x128xf32, #tpu.memory_space<vmem>>) offsets(%arg5 : memref<128xi32, #tpu.memory_space<vmem>>) semaphore(%arg7 : memref<!tpu.dma_semaphore, #tpu.memory_space<semaphore_mem>>)
      %dma_wait3A = arith.constant 0 : i32
      %dma_wait3A_14 = arith.constant 0 : i32
      %dma_wait3A_15 = tpu.memref_slice %arg2[%dma_wait3A, %dma_wait3A_14] : memref<8192x128xf32, #tpu.memory_space<hbm>> -> memref<8192x128xf32, #tpu.memory_space<hbm>>
      tpu.wait_indirect_dma semaphore(%arg7 : memref<!tpu.dma_semaphore, #tpu.memory_space<semaphore_mem>>) src(%dma_wait3A_15 : memref<8192x128xf32, #tpu.memory_space<hbm>>) dst(%arg6 : memref<128x128xf32, #tpu.memory_space<vmem>>)
      "tpu.region"() ({
        %run_scoped3A = tpu.sem_alloc : memref<!tpu.dma_semaphore, #tpu.memory_space<semaphore_mem>>
        %dma_start3A_16 = arith.constant 0 : i32
        %dma_start3A_17 = tpu.memref_slice %arg4[%multiple_of3A, %dma_start3A_16] : memref<131072x128xf32, #tpu.memory_space<hbm>> -> memref<128x128xf32, #tpu.memory_space<hbm>>
        %dma_start3A_18 = arith.constant 0 : i32
        %dma_start3A_19 = tpu.memref_slice %arg4[%multiple_of3A, %dma_start3A_18] : memref<131072x128xf32, #tpu.memory_space<hbm>> -> memref<128x128xf32, #tpu.memory_space<hbm>>
        tpu.enqueue_dma source(%arg6 : memref<128x128xf32, #tpu.memory_space<vmem>>) target(%dma_start3A_19 : memref<128x128xf32, #tpu.memory_space<hbm>>) target_semaphore(%run_scoped3A : memref<!tpu.dma_semaphore, #tpu.memory_space<semaphore_mem>>)
        %dma_wait3A_20 = arith.constant 0 : i32
        %dma_wait3A_21 = tpu.memref_slice %arg4[%multiple_of3A, %dma_wait3A_20] : memref<131072x128xf32, #tpu.memory_space<hbm>> -> memref<128x128xf32, #tpu.memory_space<hbm>>
        %dma_wait3A_22 = arith.constant 0 : i32
        %dma_wait3A_23 = tpu.memref_slice %arg4[%multiple_of3A, %dma_wait3A_22] : memref<131072x128xf32, #tpu.memory_space<hbm>> -> memref<128x128xf32, #tpu.memory_space<hbm>>
        tpu.wait_dma2 semaphore(%run_scoped3A : memref<!tpu.dma_semaphore, #tpu.memory_space<semaphore_mem>>) src(%arg6 : memref<128x128xf32, #tpu.memory_space<vmem>>) dst(%dma_wait3A_23 : memref<128x128xf32, #tpu.memory_space<hbm>>)
        tpu.yield
      }) : () -> ()
    }
    %scan3A_7 = arith.constant 32 : i32
    return
  }
}

module attributes {stable_mosaic.version = 14 : i64} {
  func.func @_knn_body(%arg0: i32, %arg1: i32, %arg2: memref<1x128x2048xf32, #tpu.memory_space<vmem>>, %arg3: memref<1x256x16xi32, #tpu.memory_space<vmem>>) attributes {dimension_semantics = [#tpu.dimension_semantics<arbitrary>, #tpu.dimension_semantics<arbitrary>], iteration_bounds = array<i64: 4, 8>, scalar_prefetch = 0 : i64, scratch_operands = 0 : i64, tpu.core_type = #tpu.core_type<tc>, window_params = [{transform_indices = @transform_0, window_bounds = array<i64: 1, 128, 2048>}, {transform_indices = @transform_1, window_bounds = array<i64: 1, 256, 16>}]} {
    %get3A = arith.constant 0 : index
    %get3A_0 = arith.constant 0 : index
    %get3A_1 = arith.constant 0 : index
    %get3A_2 = vector.load %arg2[%get3A, %get3A_0, %get3A_1] : memref<1x128x2048xf32, #tpu.memory_space<vmem>>, vector<1x128x2048xf32>
    %get3A_3 = vector.shape_cast %get3A_2 : vector<1x128x2048xf32> to vector<128x2048xf32>
    %mul3A = arith.constant 256 : i32
    %mul3A_4 = arith.muli %arg1, %mul3A : i32
    %get3A_5 = arith.constant 0 : index
    %get3A_6 = arith.constant 0 : index
    %get3A_7 = arith.index_cast %mul3A_4 : i32 to index
    %get3A_8 = vector.load %arg2[%get3A_5, %get3A_6, %get3A_7] : memref<1x128x2048xf32, #tpu.memory_space<vmem>>, vector<1x128x256xf32>
    %get3A_9 = vector.shape_cast %get3A_8 : vector<1x128x256xf32> to vector<128x256xf32>
    %dot_general3A = arith.constant dense<0.000000e+00> : vector<256x2048xf32>
    %dot_general3A_10 = tpu.matmul %get3A_9, %get3A_3, %dot_general3A {dimension_numbers = #tpu.dot_dimension_numbers<[0], [0], [1], [1], [0, 1, 1, 1], [], []>, transpose_lhs_hint = false} : vector<128x256xf32>, vector<128x2048xf32>, vector<256x2048xf32> -> vector<256x2048xf32>
    %mul3A_11 = arith.constant -2.000000e+00 : f32
    %mul3A_12 = vector.broadcast %mul3A_11 : f32 to vector<256x2048xf32>
    %mul3A_13 = arith.mulf %mul3A_12, %dot_general3A_10 : vector<256x2048xf32>
    %mul3A_14 = arith.mulf %get3A_3, %get3A_3 : vector<128x2048xf32>
    %reduce_sum3A = arith.constant dense<0.000000e+00> : vector<2048xf32>
    %reduce_sum3A_15 = vector.multi_reduction <add>, %mul3A_14, %reduce_sum3A [0] : vector<128x2048xf32> to vector<2048xf32>
    %broadcast_in_dim3A = vector.shape_cast %reduce_sum3A_15 : vector<2048xf32> to vector<1x2048xf32>
    %broadcast_in_dim3A_16 = arith.constant 1.000000e+00 : f32
    %broadcast_in_dim3A_17 = vector.broadcast %broadcast_in_dim3A_16 : f32 to vector<128x1xf32>
    %mul3A_18 = arith.mulf %get3A_9, %get3A_9 : vector<128x256xf32>
    %dot_general3A_19 = arith.constant dense<0.000000e+00> : vector<256x1xf32>
    %dot_general3A_20 = tpu.matmul %mul3A_18, %broadcast_in_dim3A_17, %dot_general3A_19 {dimension_numbers = #tpu.dot_dimension_numbers<[0], [0], [1], [1], [0, 1, 1, 1], [], []>, transpose_lhs_hint = false} : vector<128x256xf32>, vector<128x1xf32>, vector<256x1xf32> -> vector<256x1xf32>
    %neg3A = arith.constant 0.000000e+00 : f32
    %neg3A_21 = vector.broadcast %neg3A : f32 to vector<256x1xf32>
    %neg3A_22 = arith.subf %neg3A_21, %dot_general3A_20 : vector<256x1xf32>
    %sub3A = vector.broadcast %neg3A_22 : vector<256x1xf32> to vector<256x2048xf32>
    %sub3A_23 = arith.subf %sub3A, %mul3A_13 : vector<256x2048xf32>
    %sub3A_24 = vector.broadcast %broadcast_in_dim3A : vector<1x2048xf32> to vector<256x2048xf32>
    %sub3A_25 = arith.subf %sub3A_23, %sub3A_24 : vector<256x2048xf32>
    %iota3A = tpu.iota {dimensions = array<i32: 1>} : vector<256x2048xi32>
    %reduce_max3A = arith.constant dense<0xFF800000> : vector<256xf32>
    %reduce_max3A_26 = vector.multi_reduction <maximumf>, %sub3A_25, %reduce_max3A [1] : vector<256x2048xf32> to vector<256xf32>
    %broadcast_in_dim3A_27 = vector.shape_cast %reduce_max3A_26 : vector<256xf32> to vector<256x1xf32>
    %eq3A = vector.broadcast %broadcast_in_dim3A_27 : vector<256x1xf32> to vector<256x2048xf32>
    %eq3A_28 = arith.cmpf oeq, %sub3A_25, %eq3A : vector<256x2048xf32>
    %jit3A = arith.constant 2048 : i32
    %broadcast_in_dim3A_29 = vector.broadcast %jit3A : i32 to vector<256x2048xi32>
    %select_n3A = arith.select %eq3A_28, %iota3A, %broadcast_in_dim3A_29 : vector<256x2048xi1>, vector<256x2048xi32>
    %reduce_min3A = arith.constant dense<2147483647> : vector<256xi32>
    %reduce_min3A_30 = vector.multi_reduction <minsi>, %select_n3A, %reduce_min3A [1] : vector<256x2048xi32> to vector<256xi32>
    %broadcast_in_dim3A_31 = vector.shape_cast %reduce_min3A_30 : vector<256xi32> to vector<256x1xi32>
    %eq3A_32 = vector.broadcast %broadcast_in_dim3A_31 : vector<256x1xi32> to vector<256x2048xi32>
    %eq3A_33 = arith.cmpi eq, %iota3A, %eq3A_32 : vector<256x2048xi32>
    %jit3A_34 = arith.constant 0xFF800000 : f32
    %broadcast_in_dim3A_35 = vector.broadcast %jit3A_34 : f32 to vector<256x2048xf32>
    %select_n3A_36 = arith.select %eq3A_33, %broadcast_in_dim3A_35, %sub3A_25 : vector<256x2048xi1>, vector<256x2048xf32>
    %reduce_max3A_37 = arith.constant dense<0xFF800000> : vector<256xf32>
    %reduce_max3A_38 = vector.multi_reduction <maximumf>, %select_n3A_36, %reduce_max3A_37 [1] : vector<256x2048xf32> to vector<256xf32>
    %broadcast_in_dim3A_39 = vector.shape_cast %reduce_max3A_38 : vector<256xf32> to vector<256x1xf32>
    %eq3A_40 = vector.broadcast %broadcast_in_dim3A_39 : vector<256x1xf32> to vector<256x2048xf32>
    %eq3A_41 = arith.cmpf oeq, %select_n3A_36, %eq3A_40 : vector<256x2048xf32>
    %jit3A_42 = arith.constant 2048 : i32
    %broadcast_in_dim3A_43 = vector.broadcast %jit3A_42 : i32 to vector<256x2048xi32>
    %select_n3A_44 = arith.select %eq3A_41, %iota3A, %broadcast_in_dim3A_43 : vector<256x2048xi1>, vector<256x2048xi32>
    %reduce_min3A_45 = arith.constant dense<2147483647> : vector<256xi32>
    %reduce_min3A_46 = vector.multi_reduction <minsi>, %select_n3A_44, %reduce_min3A_45 [1] : vector<256x2048xi32> to vector<256xi32>
    %broadcast_in_dim3A_47 = vector.shape_cast %reduce_min3A_46 : vector<256xi32> to vector<256x1xi32>
    %eq3A_48 = vector.broadcast %broadcast_in_dim3A_47 : vector<256x1xi32> to vector<256x2048xi32>
    %eq3A_49 = arith.cmpi eq, %iota3A, %eq3A_48 : vector<256x2048xi32>
    %jit3A_50 = arith.constant 0xFF800000 : f32
    %broadcast_in_dim3A_51 = vector.broadcast %jit3A_50 : f32 to vector<256x2048xf32>
    %select_n3A_52 = arith.select %eq3A_49, %broadcast_in_dim3A_51, %select_n3A_36 : vector<256x2048xi1>, vector<256x2048xf32>
    %reduce_max3A_53 = arith.constant dense<0xFF800000> : vector<256xf32>
    %reduce_max3A_54 = vector.multi_reduction <maximumf>, %select_n3A_52, %reduce_max3A_53 [1] : vector<256x2048xf32> to vector<256xf32>
    %broadcast_in_dim3A_55 = vector.shape_cast %reduce_max3A_54 : vector<256xf32> to vector<256x1xf32>
    %eq3A_56 = vector.broadcast %broadcast_in_dim3A_55 : vector<256x1xf32> to vector<256x2048xf32>
    %eq3A_57 = arith.cmpf oeq, %select_n3A_52, %eq3A_56 : vector<256x2048xf32>
    %jit3A_58 = arith.constant 2048 : i32
    %broadcast_in_dim3A_59 = vector.broadcast %jit3A_58 : i32 to vector<256x2048xi32>
    %select_n3A_60 = arith.select %eq3A_57, %iota3A, %broadcast_in_dim3A_59 : vector<256x2048xi1>, vector<256x2048xi32>
    %reduce_min3A_61 = arith.constant dense<2147483647> : vector<256xi32>
    %reduce_min3A_62 = vector.multi_reduction <minsi>, %select_n3A_60, %reduce_min3A_61 [1] : vector<256x2048xi32> to vector<256xi32>
    %broadcast_in_dim3A_63 = vector.shape_cast %reduce_min3A_62 : vector<256xi32> to vector<256x1xi32>
    %eq3A_64 = vector.broadcast %broadcast_in_dim3A_63 : vector<256x1xi32> to vector<256x2048xi32>
    %eq3A_65 = arith.cmpi eq, %iota3A, %eq3A_64 : vector<256x2048xi32>
    %jit3A_66 = arith.constant 0xFF800000 : f32
    %broadcast_in_dim3A_67 = vector.broadcast %jit3A_66 : f32 to vector<256x2048xf32>
    %select_n3A_68 = arith.select %eq3A_65, %broadcast_in_dim3A_67, %select_n3A_52 : vector<256x2048xi1>, vector<256x2048xf32>
    %reduce_max3A_69 = arith.constant dense<0xFF800000> : vector<256xf32>
    %reduce_max3A_70 = vector.multi_reduction <maximumf>, %select_n3A_68, %reduce_max3A_69 [1] : vector<256x2048xf32> to vector<256xf32>
    %broadcast_in_dim3A_71 = vector.shape_cast %reduce_max3A_70 : vector<256xf32> to vector<256x1xf32>
    %eq3A_72 = vector.broadcast %broadcast_in_dim3A_71 : vector<256x1xf32> to vector<256x2048xf32>
    %eq3A_73 = arith.cmpf oeq, %select_n3A_68, %eq3A_72 : vector<256x2048xf32>
    %jit3A_74 = arith.constant 2048 : i32
    %broadcast_in_dim3A_75 = vector.broadcast %jit3A_74 : i32 to vector<256x2048xi32>
    %select_n3A_76 = arith.select %eq3A_73, %iota3A, %broadcast_in_dim3A_75 : vector<256x2048xi1>, vector<256x2048xi32>
    %reduce_min3A_77 = arith.constant dense<2147483647> : vector<256xi32>
    %reduce_min3A_78 = vector.multi_reduction <minsi>, %select_n3A_76, %reduce_min3A_77 [1] : vector<256x2048xi32> to vector<256xi32>
    %broadcast_in_dim3A_79 = vector.shape_cast %reduce_min3A_78 : vector<256xi32> to vector<256x1xi32>
    %eq3A_80 = vector.broadcast %broadcast_in_dim3A_79 : vector<256x1xi32> to vector<256x2048xi32>
    %eq3A_81 = arith.cmpi eq, %iota3A, %eq3A_80 : vector<256x2048xi32>
    %jit3A_82 = arith.constant 0xFF800000 : f32
    %broadcast_in_dim3A_83 = vector.broadcast %jit3A_82 : f32 to vector<256x2048xf32>
    %select_n3A_84 = arith.select %eq3A_81, %broadcast_in_dim3A_83, %select_n3A_68 : vector<256x2048xi1>, vector<256x2048xf32>
    %reduce_max3A_85 = arith.constant dense<0xFF800000> : vector<256xf32>
    %reduce_max3A_86 = vector.multi_reduction <maximumf>, %select_n3A_84, %reduce_max3A_85 [1] : vector<256x2048xf32> to vector<256xf32>
    %broadcast_in_dim3A_87 = vector.shape_cast %reduce_max3A_86 : vector<256xf32> to vector<256x1xf32>
    %eq3A_88 = vector.broadcast %broadcast_in_dim3A_87 : vector<256x1xf32> to vector<256x2048xf32>
    %eq3A_89 = arith.cmpf oeq, %select_n3A_84, %eq3A_88 : vector<256x2048xf32>
    %jit3A_90 = arith.constant 2048 : i32
    %broadcast_in_dim3A_91 = vector.broadcast %jit3A_90 : i32 to vector<256x2048xi32>
    %select_n3A_92 = arith.select %eq3A_89, %iota3A, %broadcast_in_dim3A_91 : vector<256x2048xi1>, vector<256x2048xi32>
    %reduce_min3A_93 = arith.constant dense<2147483647> : vector<256xi32>
    %reduce_min3A_94 = vector.multi_reduction <minsi>, %select_n3A_92, %reduce_min3A_93 [1] : vector<256x2048xi32> to vector<256xi32>
    %broadcast_in_dim3A_95 = vector.shape_cast %reduce_min3A_94 : vector<256xi32> to vector<256x1xi32>
    %eq3A_96 = vector.broadcast %broadcast_in_dim3A_95 : vector<256x1xi32> to vector<256x2048xi32>
    %eq3A_97 = arith.cmpi eq, %iota3A, %eq3A_96 : vector<256x2048xi32>
    %jit3A_98 = arith.constant 0xFF800000 : f32
    %broadcast_in_dim3A_99 = vector.broadcast %jit3A_98 : f32 to vector<256x2048xf32>
    %select_n3A_100 = arith.select %eq3A_97, %broadcast_in_dim3A_99, %select_n3A_84 : vector<256x2048xi1>, vector<256x2048xf32>
    %reduce_max3A_101 = arith.constant dense<0xFF800000> : vector<256xf32>
    %reduce_max3A_102 = vector.multi_reduction <maximumf>, %select_n3A_100, %reduce_max3A_101 [1] : vector<256x2048xf32> to vector<256xf32>
    %broadcast_in_dim3A_103 = vector.shape_cast %reduce_max3A_102 : vector<256xf32> to vector<256x1xf32>
    %eq3A_104 = vector.broadcast %broadcast_in_dim3A_103 : vector<256x1xf32> to vector<256x2048xf32>
    %eq3A_105 = arith.cmpf oeq, %select_n3A_100, %eq3A_104 : vector<256x2048xf32>
    %jit3A_106 = arith.constant 2048 : i32
    %broadcast_in_dim3A_107 = vector.broadcast %jit3A_106 : i32 to vector<256x2048xi32>
    %select_n3A_108 = arith.select %eq3A_105, %iota3A, %broadcast_in_dim3A_107 : vector<256x2048xi1>, vector<256x2048xi32>
    %reduce_min3A_109 = arith.constant dense<2147483647> : vector<256xi32>
    %reduce_min3A_110 = vector.multi_reduction <minsi>, %select_n3A_108, %reduce_min3A_109 [1] : vector<256x2048xi32> to vector<256xi32>
    %broadcast_in_dim3A_111 = vector.shape_cast %reduce_min3A_110 : vector<256xi32> to vector<256x1xi32>
    %eq3A_112 = vector.broadcast %broadcast_in_dim3A_111 : vector<256x1xi32> to vector<256x2048xi32>
    %eq3A_113 = arith.cmpi eq, %iota3A, %eq3A_112 : vector<256x2048xi32>
    %jit3A_114 = arith.constant 0xFF800000 : f32
    %broadcast_in_dim3A_115 = vector.broadcast %jit3A_114 : f32 to vector<256x2048xf32>
    %select_n3A_116 = arith.select %eq3A_113, %broadcast_in_dim3A_115, %select_n3A_100 : vector<256x2048xi1>, vector<256x2048xf32>
    %reduce_max3A_117 = arith.constant dense<0xFF800000> : vector<256xf32>
    %reduce_max3A_118 = vector.multi_reduction <maximumf>, %select_n3A_116, %reduce_max3A_117 [1] : vector<256x2048xf32> to vector<256xf32>
    %broadcast_in_dim3A_119 = vector.shape_cast %reduce_max3A_118 : vector<256xf32> to vector<256x1xf32>
    %eq3A_120 = vector.broadcast %broadcast_in_dim3A_119 : vector<256x1xf32> to vector<256x2048xf32>
    %eq3A_121 = arith.cmpf oeq, %select_n3A_116, %eq3A_120 : vector<256x2048xf32>
    %jit3A_122 = arith.constant 2048 : i32
    %broadcast_in_dim3A_123 = vector.broadcast %jit3A_122 : i32 to vector<256x2048xi32>
    %select_n3A_124 = arith.select %eq3A_121, %iota3A, %broadcast_in_dim3A_123 : vector<256x2048xi1>, vector<256x2048xi32>
    %reduce_min3A_125 = arith.constant dense<2147483647> : vector<256xi32>
    %reduce_min3A_126 = vector.multi_reduction <minsi>, %select_n3A_124, %reduce_min3A_125 [1] : vector<256x2048xi32> to vector<256xi32>
    %broadcast_in_dim3A_127 = vector.shape_cast %reduce_min3A_126 : vector<256xi32> to vector<256x1xi32>
    %eq3A_128 = vector.broadcast %broadcast_in_dim3A_127 : vector<256x1xi32> to vector<256x2048xi32>
    %eq3A_129 = arith.cmpi eq, %iota3A, %eq3A_128 : vector<256x2048xi32>
    %jit3A_130 = arith.constant 0xFF800000 : f32
    %broadcast_in_dim3A_131 = vector.broadcast %jit3A_130 : f32 to vector<256x2048xf32>
    %select_n3A_132 = arith.select %eq3A_129, %broadcast_in_dim3A_131, %select_n3A_116 : vector<256x2048xi1>, vector<256x2048xf32>
    %reduce_max3A_133 = arith.constant dense<0xFF800000> : vector<256xf32>
    %reduce_max3A_134 = vector.multi_reduction <maximumf>, %select_n3A_132, %reduce_max3A_133 [1] : vector<256x2048xf32> to vector<256xf32>
    %broadcast_in_dim3A_135 = vector.shape_cast %reduce_max3A_134 : vector<256xf32> to vector<256x1xf32>
    %eq3A_136 = vector.broadcast %broadcast_in_dim3A_135 : vector<256x1xf32> to vector<256x2048xf32>
    %eq3A_137 = arith.cmpf oeq, %select_n3A_132, %eq3A_136 : vector<256x2048xf32>
    %jit3A_138 = arith.constant 2048 : i32
    %broadcast_in_dim3A_139 = vector.broadcast %jit3A_138 : i32 to vector<256x2048xi32>
    %select_n3A_140 = arith.select %eq3A_137, %iota3A, %broadcast_in_dim3A_139 : vector<256x2048xi1>, vector<256x2048xi32>
    %reduce_min3A_141 = arith.constant dense<2147483647> : vector<256xi32>
    %reduce_min3A_142 = vector.multi_reduction <minsi>, %select_n3A_140, %reduce_min3A_141 [1] : vector<256x2048xi32> to vector<256xi32>
    %broadcast_in_dim3A_143 = vector.shape_cast %reduce_min3A_142 : vector<256xi32> to vector<256x1xi32>
    %eq3A_144 = vector.broadcast %broadcast_in_dim3A_143 : vector<256x1xi32> to vector<256x2048xi32>
    %eq3A_145 = arith.cmpi eq, %iota3A, %eq3A_144 : vector<256x2048xi32>
    %jit3A_146 = arith.constant 0xFF800000 : f32
    %broadcast_in_dim3A_147 = vector.broadcast %jit3A_146 : f32 to vector<256x2048xf32>
    %select_n3A_148 = arith.select %eq3A_145, %broadcast_in_dim3A_147, %select_n3A_132 : vector<256x2048xi1>, vector<256x2048xf32>
    %reduce_max3A_149 = arith.constant dense<0xFF800000> : vector<256xf32>
    %reduce_max3A_150 = vector.multi_reduction <maximumf>, %select_n3A_148, %reduce_max3A_149 [1] : vector<256x2048xf32> to vector<256xf32>
    %broadcast_in_dim3A_151 = vector.shape_cast %reduce_max3A_150 : vector<256xf32> to vector<256x1xf32>
    %eq3A_152 = vector.broadcast %broadcast_in_dim3A_151 : vector<256x1xf32> to vector<256x2048xf32>
    %eq3A_153 = arith.cmpf oeq, %select_n3A_148, %eq3A_152 : vector<256x2048xf32>
    %jit3A_154 = arith.constant 2048 : i32
    %broadcast_in_dim3A_155 = vector.broadcast %jit3A_154 : i32 to vector<256x2048xi32>
    %select_n3A_156 = arith.select %eq3A_153, %iota3A, %broadcast_in_dim3A_155 : vector<256x2048xi1>, vector<256x2048xi32>
    %reduce_min3A_157 = arith.constant dense<2147483647> : vector<256xi32>
    %reduce_min3A_158 = vector.multi_reduction <minsi>, %select_n3A_156, %reduce_min3A_157 [1] : vector<256x2048xi32> to vector<256xi32>
    %broadcast_in_dim3A_159 = vector.shape_cast %reduce_min3A_158 : vector<256xi32> to vector<256x1xi32>
    %eq3A_160 = vector.broadcast %broadcast_in_dim3A_159 : vector<256x1xi32> to vector<256x2048xi32>
    %eq3A_161 = arith.cmpi eq, %iota3A, %eq3A_160 : vector<256x2048xi32>
    %jit3A_162 = arith.constant 0xFF800000 : f32
    %broadcast_in_dim3A_163 = vector.broadcast %jit3A_162 : f32 to vector<256x2048xf32>
    %select_n3A_164 = arith.select %eq3A_161, %broadcast_in_dim3A_163, %select_n3A_148 : vector<256x2048xi1>, vector<256x2048xf32>
    %reduce_max3A_165 = arith.constant dense<0xFF800000> : vector<256xf32>
    %reduce_max3A_166 = vector.multi_reduction <maximumf>, %select_n3A_164, %reduce_max3A_165 [1] : vector<256x2048xf32> to vector<256xf32>
    %broadcast_in_dim3A_167 = vector.shape_cast %reduce_max3A_166 : vector<256xf32> to vector<256x1xf32>
    %eq3A_168 = vector.broadcast %broadcast_in_dim3A_167 : vector<256x1xf32> to vector<256x2048xf32>
    %eq3A_169 = arith.cmpf oeq, %select_n3A_164, %eq3A_168 : vector<256x2048xf32>
    %jit3A_170 = arith.constant 2048 : i32
    %broadcast_in_dim3A_171 = vector.broadcast %jit3A_170 : i32 to vector<256x2048xi32>
    %select_n3A_172 = arith.select %eq3A_169, %iota3A, %broadcast_in_dim3A_171 : vector<256x2048xi1>, vector<256x2048xi32>
    %reduce_min3A_173 = arith.constant dense<2147483647> : vector<256xi32>
    %reduce_min3A_174 = vector.multi_reduction <minsi>, %select_n3A_172, %reduce_min3A_173 [1] : vector<256x2048xi32> to vector<256xi32>
    %broadcast_in_dim3A_175 = vector.shape_cast %reduce_min3A_174 : vector<256xi32> to vector<256x1xi32>
    %eq3A_176 = vector.broadcast %broadcast_in_dim3A_175 : vector<256x1xi32> to vector<256x2048xi32>
    %eq3A_177 = arith.cmpi eq, %iota3A, %eq3A_176 : vector<256x2048xi32>
    %jit3A_178 = arith.constant 0xFF800000 : f32
    %broadcast_in_dim3A_179 = vector.broadcast %jit3A_178 : f32 to vector<256x2048xf32>
    %select_n3A_180 = arith.select %eq3A_177, %broadcast_in_dim3A_179, %select_n3A_164 : vector<256x2048xi1>, vector<256x2048xf32>
    %reduce_max3A_181 = arith.constant dense<0xFF800000> : vector<256xf32>
    %reduce_max3A_182 = vector.multi_reduction <maximumf>, %select_n3A_180, %reduce_max3A_181 [1] : vector<256x2048xf32> to vector<256xf32>
    %broadcast_in_dim3A_183 = vector.shape_cast %reduce_max3A_182 : vector<256xf32> to vector<256x1xf32>
    %eq3A_184 = vector.broadcast %broadcast_in_dim3A_183 : vector<256x1xf32> to vector<256x2048xf32>
    %eq3A_185 = arith.cmpf oeq, %select_n3A_180, %eq3A_184 : vector<256x2048xf32>
    %jit3A_186 = arith.constant 2048 : i32
    %broadcast_in_dim3A_187 = vector.broadcast %jit3A_186 : i32 to vector<256x2048xi32>
    %select_n3A_188 = arith.select %eq3A_185, %iota3A, %broadcast_in_dim3A_187 : vector<256x2048xi1>, vector<256x2048xi32>
    %reduce_min3A_189 = arith.constant dense<2147483647> : vector<256xi32>
    %reduce_min3A_190 = vector.multi_reduction <minsi>, %select_n3A_188, %reduce_min3A_189 [1] : vector<256x2048xi32> to vector<256xi32>
    %broadcast_in_dim3A_191 = vector.shape_cast %reduce_min3A_190 : vector<256xi32> to vector<256x1xi32>
    %eq3A_192 = vector.broadcast %broadcast_in_dim3A_191 : vector<256x1xi32> to vector<256x2048xi32>
    %eq3A_193 = arith.cmpi eq, %iota3A, %eq3A_192 : vector<256x2048xi32>
    %jit3A_194 = arith.constant 0xFF800000 : f32
    %broadcast_in_dim3A_195 = vector.broadcast %jit3A_194 : f32 to vector<256x2048xf32>
    %select_n3A_196 = arith.select %eq3A_193, %broadcast_in_dim3A_195, %select_n3A_180 : vector<256x2048xi1>, vector<256x2048xf32>
    %reduce_max3A_197 = arith.constant dense<0xFF800000> : vector<256xf32>
    %reduce_max3A_198 = vector.multi_reduction <maximumf>, %select_n3A_196, %reduce_max3A_197 [1] : vector<256x2048xf32> to vector<256xf32>
    %broadcast_in_dim3A_199 = vector.shape_cast %reduce_max3A_198 : vector<256xf32> to vector<256x1xf32>
    %eq3A_200 = vector.broadcast %broadcast_in_dim3A_199 : vector<256x1xf32> to vector<256x2048xf32>
    %eq3A_201 = arith.cmpf oeq, %select_n3A_196, %eq3A_200 : vector<256x2048xf32>
    %jit3A_202 = arith.constant 2048 : i32
    %broadcast_in_dim3A_203 = vector.broadcast %jit3A_202 : i32 to vector<256x2048xi32>
    %select_n3A_204 = arith.select %eq3A_201, %iota3A, %broadcast_in_dim3A_203 : vector<256x2048xi1>, vector<256x2048xi32>
    %reduce_min3A_205 = arith.constant dense<2147483647> : vector<256xi32>
    %reduce_min3A_206 = vector.multi_reduction <minsi>, %select_n3A_204, %reduce_min3A_205 [1] : vector<256x2048xi32> to vector<256xi32>
    %broadcast_in_dim3A_207 = vector.shape_cast %reduce_min3A_206 : vector<256xi32> to vector<256x1xi32>
    %eq3A_208 = vector.broadcast %broadcast_in_dim3A_207 : vector<256x1xi32> to vector<256x2048xi32>
    %eq3A_209 = arith.cmpi eq, %iota3A, %eq3A_208 : vector<256x2048xi32>
    %jit3A_210 = arith.constant 0xFF800000 : f32
    %broadcast_in_dim3A_211 = vector.broadcast %jit3A_210 : f32 to vector<256x2048xf32>
    %select_n3A_212 = arith.select %eq3A_209, %broadcast_in_dim3A_211, %select_n3A_196 : vector<256x2048xi1>, vector<256x2048xf32>
    %reduce_max3A_213 = arith.constant dense<0xFF800000> : vector<256xf32>
    %reduce_max3A_214 = vector.multi_reduction <maximumf>, %select_n3A_212, %reduce_max3A_213 [1] : vector<256x2048xf32> to vector<256xf32>
    %broadcast_in_dim3A_215 = vector.shape_cast %reduce_max3A_214 : vector<256xf32> to vector<256x1xf32>
    %eq3A_216 = vector.broadcast %broadcast_in_dim3A_215 : vector<256x1xf32> to vector<256x2048xf32>
    %eq3A_217 = arith.cmpf oeq, %select_n3A_212, %eq3A_216 : vector<256x2048xf32>
    %jit3A_218 = arith.constant 2048 : i32
    %broadcast_in_dim3A_219 = vector.broadcast %jit3A_218 : i32 to vector<256x2048xi32>
    %select_n3A_220 = arith.select %eq3A_217, %iota3A, %broadcast_in_dim3A_219 : vector<256x2048xi1>, vector<256x2048xi32>
    %reduce_min3A_221 = arith.constant dense<2147483647> : vector<256xi32>
    %reduce_min3A_222 = vector.multi_reduction <minsi>, %select_n3A_220, %reduce_min3A_221 [1] : vector<256x2048xi32> to vector<256xi32>
    %broadcast_in_dim3A_223 = vector.shape_cast %reduce_min3A_222 : vector<256xi32> to vector<256x1xi32>
    %eq3A_224 = vector.broadcast %broadcast_in_dim3A_223 : vector<256x1xi32> to vector<256x2048xi32>
    %eq3A_225 = arith.cmpi eq, %iota3A, %eq3A_224 : vector<256x2048xi32>
    %jit3A_226 = arith.constant 0xFF800000 : f32
    %broadcast_in_dim3A_227 = vector.broadcast %jit3A_226 : f32 to vector<256x2048xf32>
    %select_n3A_228 = arith.select %eq3A_225, %broadcast_in_dim3A_227, %select_n3A_212 : vector<256x2048xi1>, vector<256x2048xf32>
    %reduce_max3A_229 = arith.constant dense<0xFF800000> : vector<256xf32>
    %reduce_max3A_230 = vector.multi_reduction <maximumf>, %select_n3A_228, %reduce_max3A_229 [1] : vector<256x2048xf32> to vector<256xf32>
    %broadcast_in_dim3A_231 = vector.shape_cast %reduce_max3A_230 : vector<256xf32> to vector<256x1xf32>
    %eq3A_232 = vector.broadcast %broadcast_in_dim3A_231 : vector<256x1xf32> to vector<256x2048xf32>
    %eq3A_233 = arith.cmpf oeq, %select_n3A_228, %eq3A_232 : vector<256x2048xf32>
    %jit3A_234 = arith.constant 2048 : i32
    %broadcast_in_dim3A_235 = vector.broadcast %jit3A_234 : i32 to vector<256x2048xi32>
    %select_n3A_236 = arith.select %eq3A_233, %iota3A, %broadcast_in_dim3A_235 : vector<256x2048xi1>, vector<256x2048xi32>
    %reduce_min3A_237 = arith.constant dense<2147483647> : vector<256xi32>
    %reduce_min3A_238 = vector.multi_reduction <minsi>, %select_n3A_236, %reduce_min3A_237 [1] : vector<256x2048xi32> to vector<256xi32>
    %broadcast_in_dim3A_239 = vector.shape_cast %reduce_min3A_238 : vector<256xi32> to vector<256x1xi32>
    %eq3A_240 = vector.broadcast %broadcast_in_dim3A_239 : vector<256x1xi32> to vector<256x2048xi32>
    %eq3A_241 = arith.cmpi eq, %iota3A, %eq3A_240 : vector<256x2048xi32>
    %jit3A_242 = arith.constant 0xFF800000 : f32
    %broadcast_in_dim3A_243 = vector.broadcast %jit3A_242 : f32 to vector<256x2048xf32>
    %select_n3A_244 = arith.select %eq3A_241, %broadcast_in_dim3A_243, %select_n3A_228 : vector<256x2048xi1>, vector<256x2048xf32>
    %reduce_max3A_245 = arith.constant dense<0xFF800000> : vector<256xf32>
    %reduce_max3A_246 = vector.multi_reduction <maximumf>, %select_n3A_244, %reduce_max3A_245 [1] : vector<256x2048xf32> to vector<256xf32>
    %broadcast_in_dim3A_247 = vector.shape_cast %reduce_max3A_246 : vector<256xf32> to vector<256x1xf32>
    %eq3A_248 = vector.broadcast %broadcast_in_dim3A_247 : vector<256x1xf32> to vector<256x2048xf32>
    %eq3A_249 = arith.cmpf oeq, %select_n3A_244, %eq3A_248 : vector<256x2048xf32>
    %jit3A_250 = arith.constant 2048 : i32
    %broadcast_in_dim3A_251 = vector.broadcast %jit3A_250 : i32 to vector<256x2048xi32>
    %select_n3A_252 = arith.select %eq3A_249, %iota3A, %broadcast_in_dim3A_251 : vector<256x2048xi1>, vector<256x2048xi32>
    %reduce_min3A_253 = arith.constant dense<2147483647> : vector<256xi32>
    %reduce_min3A_254 = vector.multi_reduction <minsi>, %select_n3A_252, %reduce_min3A_253 [1] : vector<256x2048xi32> to vector<256xi32>
    %broadcast_in_dim3A_255 = vector.shape_cast %reduce_min3A_254 : vector<256xi32> to vector<256x1xi32>
    %eq3A_256 = vector.broadcast %broadcast_in_dim3A_255 : vector<256x1xi32> to vector<256x2048xi32>
    %eq3A_257 = arith.cmpi eq, %iota3A, %eq3A_256 : vector<256x2048xi32>
    %jit3A_258 = arith.constant 0xFF800000 : f32
    %broadcast_in_dim3A_259 = vector.broadcast %jit3A_258 : f32 to vector<256x2048xf32>
    %select_n3A_260 = arith.select %eq3A_257, %broadcast_in_dim3A_259, %select_n3A_244 : vector<256x2048xi1>, vector<256x2048xf32>
    %reduce_max3A_261 = arith.constant dense<0xFF800000> : vector<256xf32>
    %reduce_max3A_262 = vector.multi_reduction <maximumf>, %select_n3A_260, %reduce_max3A_261 [1] : vector<256x2048xf32> to vector<256xf32>
    %broadcast_in_dim3A_263 = vector.shape_cast %reduce_max3A_262 : vector<256xf32> to vector<256x1xf32>
    %eq3A_264 = vector.broadcast %broadcast_in_dim3A_263 : vector<256x1xf32> to vector<256x2048xf32>
    %eq3A_265 = arith.cmpf oeq, %select_n3A_260, %eq3A_264 : vector<256x2048xf32>
    %jit3A_266 = arith.constant 2048 : i32
    %broadcast_in_dim3A_267 = vector.broadcast %jit3A_266 : i32 to vector<256x2048xi32>
    %select_n3A_268 = arith.select %eq3A_265, %iota3A, %broadcast_in_dim3A_267 : vector<256x2048xi1>, vector<256x2048xi32>
    %reduce_min3A_269 = arith.constant dense<2147483647> : vector<256xi32>
    %reduce_min3A_270 = vector.multi_reduction <minsi>, %select_n3A_268, %reduce_min3A_269 [1] : vector<256x2048xi32> to vector<256xi32>
    %broadcast_in_dim3A_271 = vector.shape_cast %reduce_min3A_270 : vector<256xi32> to vector<256x1xi32>
    %concatenate3A = tpu.concatenate %broadcast_in_dim3A_31, %broadcast_in_dim3A_47, %broadcast_in_dim3A_63, %broadcast_in_dim3A_79, %broadcast_in_dim3A_95, %broadcast_in_dim3A_111, %broadcast_in_dim3A_127, %broadcast_in_dim3A_143, %broadcast_in_dim3A_159, %broadcast_in_dim3A_175, %broadcast_in_dim3A_191, %broadcast_in_dim3A_207, %broadcast_in_dim3A_223, %broadcast_in_dim3A_239, %broadcast_in_dim3A_255, %broadcast_in_dim3A_271 in 1 : vector<256x1xi32>, vector<256x1xi32>, vector<256x1xi32>, vector<256x1xi32>, vector<256x1xi32>, vector<256x1xi32>, vector<256x1xi32>, vector<256x1xi32>, vector<256x1xi32>, vector<256x1xi32>, vector<256x1xi32>, vector<256x1xi32>, vector<256x1xi32>, vector<256x1xi32>, vector<256x1xi32>, vector<256x1xi32> -> vector<256x16xi32>
    %mul3A_272 = arith.constant 2048 : i32
    %mul3A_273 = arith.muli %arg0, %mul3A_272 : i32
    %add3A = vector.broadcast %mul3A_273 : i32 to vector<256x16xi32>
    %add3A_274 = arith.addi %concatenate3A, %add3A : vector<256x16xi32>
    %swap3A = arith.constant 0 : index
    %swap3A_275 = arith.constant 0 : index
    %swap3A_276 = arith.constant 0 : index
    %swap3A_277 = vector.load %arg3[%swap3A, %swap3A_275, %swap3A_276] : memref<1x256x16xi32, #tpu.memory_space<vmem>>, vector<1x256x16xi32>
    %swap3A_278 = vector.shape_cast %swap3A_277 : vector<1x256x16xi32> to vector<256x16xi32>
    %swap3A_279 = vector.shape_cast %add3A_274 : vector<256x16xi32> to vector<1x256x16xi32>
    tpu.vector_store %arg3[%swap3A, %swap3A_275, %swap3A_276], %swap3A_279 {strides = array<i32>} : memref<1x256x16xi32, #tpu.memory_space<vmem>>, vector<1x256x16xi32>,
    return
  }
  func.func @transform_0(%arg0: i32, %arg1: i32) -> (i32, i32, i32) {
    %c0_i32 = arith.constant 0 : i32
    %c0_i32_0 = arith.constant 0 : i32
    %c0_i32_1 = arith.constant 0 : i32
    return %arg0, %c0_i32, %c0_i32_0 : i32, i32, i32
  }
  func.func @transform_1(%arg0: i32, %arg1: i32) -> (i32, i32, i32) {
    %c0_i32 = arith.constant 0 : i32
    %c0_i32_0 = arith.constant 0 : i32
    return %arg0, %arg1, %c0_i32 : i32, i32, i32
  }
}

module attributes {stable_mosaic.version = 14 : i64} {
  func.func @_attn_body(%arg0: i32, %arg1: i32, %arg2: memref<1x128x2048xf32, #tpu.memory_space<vmem>>, %arg3: memref<256x128xf32, #tpu.memory_space<vmem>>, %arg4: memref<384x128xf32, #tpu.memory_space<vmem>>, %arg5: memref<128x128xf32, #tpu.memory_space<vmem>>, %arg6: memref<128x1xf32, #tpu.memory_space<vmem>>, %arg7: memref<1x256x256xf32, #tpu.memory_space<vmem>>) attributes {dimension_semantics = [#tpu.dimension_semantics<arbitrary>, #tpu.dimension_semantics<arbitrary>], iteration_bounds = array<i64: 4, 128>, scalar_prefetch = 0 : i64, scratch_operands = 0 : i64, tpu.core_type = #tpu.core_type<tc>, window_params = [{transform_indices = @transform_0, window_bounds = array<i64: 1, 128, 2048>}, {transform_indices = @transform_1, window_bounds = array<i64: 256, 128>}, {pipeline_mode = #tpu.pipeline_mode<synchronous>, transform_indices = @transform_2, window_bounds = array<i64: 384, 128>}, {pipeline_mode = #tpu.pipeline_mode<synchronous>, transform_indices = @transform_3, window_bounds = array<i64: 128, 128>}, {pipeline_mode = #tpu.pipeline_mode<synchronous>, transform_indices = @transform_4, window_bounds = array<i64: 128, 1>}, {transform_indices = @transform_5, window_bounds = array<i64: 1, 256, 256>}]} {
    %get3A = arith.constant 0 : index
    %get3A_0 = arith.constant 0 : index
    %get3A_1 = arith.constant 0 : index
    %get3A_2 = vector.load %arg2[%get3A, %get3A_0, %get3A_1] : memref<1x128x2048xf32, #tpu.memory_space<vmem>>, vector<1x128x2048xf32>
    %get3A_3 = vector.shape_cast %get3A_2 : vector<1x128x2048xf32> to vector<128x2048xf32>
    %get3A_4 = arith.constant 0 : index
    %get3A_5 = arith.constant 0 : index
    %get3A_6 = vector.load %arg3[%get3A_4, %get3A_5] : memref<256x128xf32, #tpu.memory_space<vmem>>, vector<256x128xf32>
    %transpose3A = tpu.transpose %get3A_6, [1, 0] : vector<256x128xf32> -> vector<128x256xf32>
    %iota3A = tpu.iota {dimensions = array<i32: 0>} : vector<2048x16xi32>
    %mul3A = arith.constant 16 : i32
    %mul3A_7 = arith.muli %arg1, %mul3A : i32
    %iota3A_8 = tpu.iota {dimensions = array<i32: 1>} : vector<2048x16xi32>
    %add3A = vector.broadcast %mul3A_7 : i32 to vector<2048x16xi32>
    %add3A_9 = arith.addi %add3A, %iota3A_8 : vector<2048x16xi32>
    %eq3A = arith.cmpi eq, %iota3A, %add3A_9 : vector<2048x16xi32>
    %convert_element_type3A = arith.extui %eq3A : vector<2048x16xi1> to vector<2048x16xi32>
    %convert_element_type3A_10 = arith.sitofp %convert_element_type3A : vector<2048x16xi32> to vector<2048x16xf32>
    %dot_general3A = arith.constant dense<0.000000e+00> : vector<128x16xf32>
    %dot_general3A_11 = tpu.matmul %get3A_3, %convert_element_type3A_10, %dot_general3A {dimension_numbers = #tpu.dot_dimension_numbers<[1], [0], [0], [1], [0, 0, 1, 1], [], []>, transpose_lhs_hint = false} : vector<128x2048xf32>, vector<2048x16xf32>, vector<128x16xf32> -> vector<128x16xf32>
    %iota3A_12 = tpu.iota {dimensions = array<i32: 1>} : vector<16x256xi32>
    %jit3A = arith.constant 16 : i32
    %div3A = vector.broadcast %jit3A : i32 to vector<16x256xi32>
    %div3A_13 = arith.divsi %iota3A_12, %div3A : vector<16x256xi32>
    %sign3A = arith.constant 0 : i32
    %sign3A_14 = vector.broadcast %sign3A : i32 to vector<16x256xi32>
    %sign3A_15 = arith.cmpi sgt, %iota3A_12, %sign3A_14 : vector<16x256xi32>
    %sign3A_16 = arith.extui %sign3A_15 : vector<16x256xi1> to vector<16x256xi32>
    %sign3A_17 = arith.constant 0 : i32
    %sign3A_18 = vector.broadcast %sign3A_17 : i32 to vector<16x256xi32>
    %sign3A_19 = arith.cmpi slt, %iota3A_12, %sign3A_18 : vector<16x256xi32>
    %sign3A_20 = arith.extui %sign3A_19 : vector<16x256xi1> to vector<16x256xi32>
    %sign3A_21 = arith.subi %sign3A_16, %sign3A_20 : vector<16x256xi32>
    %sign3A_22 = arith.constant 0 : i32
    %sign3A_23 = arith.cmpi sgt, %jit3A, %sign3A_22 : i32
    %sign3A_24 = arith.extui %sign3A_23 : i1 to i32
    %sign3A_25 = arith.constant 0 : i32
    %sign3A_26 = arith.cmpi slt, %jit3A, %sign3A_25 : i32
    %sign3A_27 = arith.extui %sign3A_26 : i1 to i32
    %sign3A_28 = arith.subi %sign3A_24, %sign3A_27 : i32
    %ne3A = vector.broadcast %sign3A_28 : i32 to vector<16x256xi32>
    %ne3A_29 = arith.cmpi ne, %sign3A_21, %ne3A : vector<16x256xi32>
    %rem3A = vector.broadcast %jit3A : i32 to vector<16x256xi32>
    %rem3A_30 = arith.remsi %iota3A_12, %rem3A : vector<16x256xi32>
    %ne3A_31 = arith.constant 0 : i32
    %ne3A_32 = vector.broadcast %ne3A_31 : i32 to vector<16x256xi32>
    %ne3A_33 = arith.cmpi ne, %rem3A_30, %ne3A_32 : vector<16x256xi32>
    %and3A = arith.andi %ne3A_29, %ne3A_33 : vector<16x256xi1>
    %sub3A = arith.constant 1 : i32
    %sub3A_34 = vector.broadcast %sub3A : i32 to vector<16x256xi32>
    %sub3A_35 = arith.subi %div3A_13, %sub3A_34 : vector<16x256xi32>
    %select_n3A = arith.select %and3A, %sub3A_35, %div3A_13 : vector<16x256xi1>, vector<16x256xi32>
    %iota3A_36 = tpu.iota {dimensions = array<i32: 0>} : vector<16x256xi32>
    %eq3A_37 = arith.cmpi eq, %select_n3A, %iota3A_36 : vector<16x256xi32>
    %convert_element_type3A_38 = arith.extui %eq3A_37 : vector<16x256xi1> to vector<16x256xi32>
    %convert_element_type3A_39 = arith.sitofp %convert_element_type3A_38 : vector<16x256xi32> to vector<16x256xf32>
    %dot_general3A_40 = arith.constant dense<0.000000e+00> : vector<128x256xf32>
    %dot_general3A_41 = tpu.matmul %dot_general3A_11, %convert_element_type3A_39, %dot_general3A_40 {dimension_numbers = #tpu.dot_dimension_numbers<[1], [0], [0], [1], [0, 0, 1, 1], [], []>, transpose_lhs_hint = false} : vector<128x16xf32>, vector<16x256xf32>, vector<128x256xf32> -> vector<128x256xf32>
    %sub3A_42 = arith.subf %transpose3A, %dot_general3A_41 : vector<128x256xf32>
    %get3A_43 = arith.constant 0 : index
    %get3A_44 = arith.constant 0 : index
    %get3A_45 = vector.load %arg4[%get3A_43, %get3A_44] : memref<384x128xf32, #tpu.memory_space<vmem>>, vector<384x128xf32>
    %dot_general3A_46 = arith.constant dense<0.000000e+00> : vector<384x256xf32>
    %dot_general3A_47 = tpu.matmul %get3A_45, %sub3A_42, %dot_general3A_46 {dimension_numbers = #tpu.dot_dimension_numbers<[1], [0], [0], [1], [0, 0, 1, 1], [], []>, transpose_lhs_hint = false} : vector<384x128xf32>, vector<128x256xf32>, vector<384x256xf32> -> vector<384x256xf32>
    %iota3A_48 = tpu.iota {dimensions = array<i32: 0>} : vector<256x256xi32>
    %jit3A_49 = arith.constant 16 : i32
    %div3A_50 = vector.broadcast %jit3A_49 : i32 to vector<256x256xi32>
    %div3A_51 = arith.divsi %iota3A_48, %div3A_50 : vector<256x256xi32>
    %sign3A_52 = arith.constant 0 : i32
    %sign3A_53 = vector.broadcast %sign3A_52 : i32 to vector<256x256xi32>
    %sign3A_54 = arith.cmpi sgt, %iota3A_48, %sign3A_53 : vector<256x256xi32>
    %sign3A_55 = arith.extui %sign3A_54 : vector<256x256xi1> to vector<256x256xi32>
    %sign3A_56 = arith.constant 0 : i32
    %sign3A_57 = vector.broadcast %sign3A_56 : i32 to vector<256x256xi32>
    %sign3A_58 = arith.cmpi slt, %iota3A_48, %sign3A_57 : vector<256x256xi32>
    %sign3A_59 = arith.extui %sign3A_58 : vector<256x256xi1> to vector<256x256xi32>
    %sign3A_60 = arith.subi %sign3A_55, %sign3A_59 : vector<256x256xi32>
    %sign3A_61 = arith.constant 0 : i32
    %sign3A_62 = arith.cmpi sgt, %jit3A_49, %sign3A_61 : i32
    %sign3A_63 = arith.extui %sign3A_62 : i1 to i32
    %sign3A_64 = arith.constant 0 : i32
    %sign3A_65 = arith.cmpi slt, %jit3A_49, %sign3A_64 : i32
    %sign3A_66 = arith.extui %sign3A_65 : i1 to i32
    %sign3A_67 = arith.subi %sign3A_63, %sign3A_66 : i32
    %ne3A_68 = vector.broadcast %sign3A_67 : i32 to vector<256x256xi32>
    %ne3A_69 = arith.cmpi ne, %sign3A_60, %ne3A_68 : vector<256x256xi32>
    %rem3A_70 = vector.broadcast %jit3A_49 : i32 to vector<256x256xi32>
    %rem3A_71 = arith.remsi %iota3A_48, %rem3A_70 : vector<256x256xi32>
    %ne3A_72 = arith.constant 0 : i32
    %ne3A_73 = vector.broadcast %ne3A_72 : i32 to vector<256x256xi32>
    %ne3A_74 = arith.cmpi ne, %rem3A_71, %ne3A_73 : vector<256x256xi32>
    %and3A_75 = arith.andi %ne3A_69, %ne3A_74 : vector<256x256xi1>
    %sub3A_76 = arith.constant 1 : i32
    %sub3A_77 = vector.broadcast %sub3A_76 : i32 to vector<256x256xi32>
    %sub3A_78 = arith.subi %div3A_51, %sub3A_77 : vector<256x256xi32>
    %select_n3A_79 = arith.select %and3A_75, %sub3A_78, %div3A_51 : vector<256x256xi1>, vector<256x256xi32>
    %iota3A_80 = tpu.iota {dimensions = array<i32: 1>} : vector<256x256xi32>
    %jit3A_81 = arith.constant 16 : i32
    %div3A_82 = vector.broadcast %jit3A_81 : i32 to vector<256x256xi32>
    %div3A_83 = arith.divsi %iota3A_80, %div3A_82 : vector<256x256xi32>
    %sign3A_84 = arith.constant 0 : i32
    %sign3A_85 = vector.broadcast %sign3A_84 : i32 to vector<256x256xi32>
    %sign3A_86 = arith.cmpi sgt, %iota3A_80, %sign3A_85 : vector<256x256xi32>
    %sign3A_87 = arith.extui %sign3A_86 : vector<256x256xi1> to vector<256x256xi32>
    %sign3A_88 = arith.constant 0 : i32
    %sign3A_89 = vector.broadcast %sign3A_88 : i32 to vector<256x256xi32>
    %sign3A_90 = arith.cmpi slt, %iota3A_80, %sign3A_89 : vector<256x256xi32>
    %sign3A_91 = arith.extui %sign3A_90 : vector<256x256xi1> to vector<256x256xi32>
    %sign3A_92 = arith.subi %sign3A_87, %sign3A_91 : vector<256x256xi32>
    %sign3A_93 = arith.constant 0 : i32
    %sign3A_94 = arith.cmpi sgt, %jit3A_81, %sign3A_93 : i32
    %sign3A_95 = arith.extui %sign3A_94 : i1 to i32
    %sign3A_96 = arith.constant 0 : i32
    %sign3A_97 = arith.cmpi slt, %jit3A_81, %sign3A_96 : i32
    %sign3A_98 = arith.extui %sign3A_97 : i1 to i32
    %sign3A_99 = arith.subi %sign3A_95, %sign3A_98 : i32
    %ne3A_100 = vector.broadcast %sign3A_99 : i32 to vector<256x256xi32>
    %ne3A_101 = arith.cmpi ne, %sign3A_92, %ne3A_100 : vector<256x256xi32>
    %rem3A_102 = vector.broadcast %jit3A_81 : i32 to vector<256x256xi32>
    %rem3A_103 = arith.remsi %iota3A_80, %rem3A_102 : vector<256x256xi32>
    %ne3A_104 = arith.constant 0 : i32
    %ne3A_105 = vector.broadcast %ne3A_104 : i32 to vector<256x256xi32>
    %ne3A_106 = arith.cmpi ne, %rem3A_103, %ne3A_105 : vector<256x256xi32>
    %and3A_107 = arith.andi %ne3A_101, %ne3A_106 : vector<256x256xi1>
    %sub3A_108 = arith.constant 1 : i32
    %sub3A_109 = vector.broadcast %sub3A_108 : i32 to vector<256x256xi32>
    %sub3A_110 = arith.subi %div3A_83, %sub3A_109 : vector<256x256xi32>
    %select_n3A_111 = arith.select %and3A_107, %sub3A_110, %div3A_83 : vector<256x256xi1>, vector<256x256xi32>
    %eq3A_112 = arith.cmpi eq, %select_n3A_79, %select_n3A_111 : vector<256x256xi32>
    %convert_element_type3A_113 = arith.extui %eq3A_112 : vector<256x256xi1> to vector<256x256xi32>
    %convert_element_type3A_114 = arith.sitofp %convert_element_type3A_113 : vector<256x256xi32> to vector<256x256xf32>
    %broadcast_in_dim3A = arith.constant 1.000000e+00 : f32
    %broadcast_in_dim3A_115 = vector.broadcast %broadcast_in_dim3A : f32 to vector<1x256xf32>
    %iota3A_116 = tpu.iota {dimensions = array<i32: 0>} : vector<256x32xi32>
    %iota3A_117 = tpu.iota {dimensions = array<i32: 1>} : vector<256x32xi32>
    %jit3A_118 = arith.constant 16 : i32
    %div3A_119 = vector.broadcast %jit3A_118 : i32 to vector<256x32xi32>
    %div3A_120 = arith.divsi %iota3A_116, %div3A_119 : vector<256x32xi32>
    %sign3A_121 = arith.constant 0 : i32
    %sign3A_122 = vector.broadcast %sign3A_121 : i32 to vector<256x32xi32>
    %sign3A_123 = arith.cmpi sgt, %iota3A_116, %sign3A_122 : vector<256x32xi32>
    %sign3A_124 = arith.extui %sign3A_123 : vector<256x32xi1> to vector<256x32xi32>
    %sign3A_125 = arith.constant 0 : i32
    %sign3A_126 = vector.broadcast %sign3A_125 : i32 to vector<256x32xi32>
    %sign3A_127 = arith.cmpi slt, %iota3A_116, %sign3A_126 : vector<256x32xi32>
    %sign3A_128 = arith.extui %sign3A_127 : vector<256x32xi1> to vector<256x32xi32>
    %sign3A_129 = arith.subi %sign3A_124, %sign3A_128 : vector<256x32xi32>
    %sign3A_130 = arith.constant 0 : i32
    %sign3A_131 = arith.cmpi sgt, %jit3A_118, %sign3A_130 : i32
    %sign3A_132 = arith.extui %sign3A_131 : i1 to i32
    %sign3A_133 = arith.constant 0 : i32
    %sign3A_134 = arith.cmpi slt, %jit3A_118, %sign3A_133 : i32
    %sign3A_135 = arith.extui %sign3A_134 : i1 to i32
    %sign3A_136 = arith.subi %sign3A_132, %sign3A_135 : i32
    %ne3A_137 = vector.broadcast %sign3A_136 : i32 to vector<256x32xi32>
    %ne3A_138 = arith.cmpi ne, %sign3A_129, %ne3A_137 : vector<256x32xi32>
    %rem3A_139 = vector.broadcast %jit3A_118 : i32 to vector<256x32xi32>
    %rem3A_140 = arith.remsi %iota3A_116, %rem3A_139 : vector<256x32xi32>
    %ne3A_141 = arith.constant 0 : i32
    %ne3A_142 = vector.broadcast %ne3A_141 : i32 to vector<256x32xi32>
    %ne3A_143 = arith.cmpi ne, %rem3A_140, %ne3A_142 : vector<256x32xi32>
    %and3A_144 = arith.andi %ne3A_138, %ne3A_143 : vector<256x32xi1>
    %sub3A_145 = arith.constant 1 : i32
    %sub3A_146 = vector.broadcast %sub3A_145 : i32 to vector<256x32xi32>
    %sub3A_147 = arith.subi %div3A_120, %sub3A_146 : vector<256x32xi32>
    %select_n3A_148 = arith.select %and3A_144, %sub3A_147, %div3A_120 : vector<256x32xi1>, vector<256x32xi32>
    %jit3A_149 = arith.constant 2 : i32
    %div3A_150 = vector.broadcast %jit3A_149 : i32 to vector<256x32xi32>
    %div3A_151 = arith.divsi %iota3A_117, %div3A_150 : vector<256x32xi32>
    %sign3A_152 = arith.constant 0 : i32
    %sign3A_153 = vector.broadcast %sign3A_152 : i32 to vector<256x32xi32>
    %sign3A_154 = arith.cmpi sgt, %iota3A_117, %sign3A_153 : vector<256x32xi32>
    %sign3A_155 = arith.extui %sign3A_154 : vector<256x32xi1> to vector<256x32xi32>
    %sign3A_156 = arith.constant 0 : i32
    %sign3A_157 = vector.broadcast %sign3A_156 : i32 to vector<256x32xi32>
    %sign3A_158 = arith.cmpi slt, %iota3A_117, %sign3A_157 : vector<256x32xi32>
    %sign3A_159 = arith.extui %sign3A_158 : vector<256x32xi1> to vector<256x32xi32>
    %sign3A_160 = arith.subi %sign3A_155, %sign3A_159 : vector<256x32xi32>
    %sign3A_161 = arith.constant 0 : i32
    %sign3A_162 = arith.cmpi sgt, %jit3A_149, %sign3A_161 : i32
    %sign3A_163 = arith.extui %sign3A_162 : i1 to i32
    %sign3A_164 = arith.constant 0 : i32
    %sign3A_165 = arith.cmpi slt, %jit3A_149, %sign3A_164 : i32
    %sign3A_166 = arith.extui %sign3A_165 : i1 to i32
    %sign3A_167 = arith.subi %sign3A_163, %sign3A_166 : i32
    %ne3A_168 = vector.broadcast %sign3A_167 : i32 to vector<256x32xi32>
    %ne3A_169 = arith.cmpi ne, %sign3A_160, %ne3A_168 : vector<256x32xi32>
    %rem3A_170 = vector.broadcast %jit3A_149 : i32 to vector<256x32xi32>
    %rem3A_171 = arith.remsi %iota3A_117, %rem3A_170 : vector<256x32xi32>
    %ne3A_172 = arith.constant 0 : i32
    %ne3A_173 = vector.broadcast %ne3A_172 : i32 to vector<256x32xi32>
    %ne3A_174 = arith.cmpi ne, %rem3A_171, %ne3A_173 : vector<256x32xi32>
    %and3A_175 = arith.andi %ne3A_169, %ne3A_174 : vector<256x32xi1>
    %sub3A_176 = arith.constant 1 : i32
    %sub3A_177 = vector.broadcast %sub3A_176 : i32 to vector<256x32xi32>
    %sub3A_178 = arith.subi %div3A_151, %sub3A_177 : vector<256x32xi32>
    %select_n3A_179 = arith.select %and3A_175, %sub3A_178, %div3A_151 : vector<256x32xi1>, vector<256x32xi32>
    %eq3A_180 = arith.cmpi eq, %select_n3A_148, %select_n3A_179 : vector<256x32xi32>
    %jit3A_181 = arith.constant 16 : i32
    %eq3A_182 = arith.constant 0 : i32
    %eq3A_183 = arith.cmpi eq, %jit3A_181, %eq3A_182 : i32
    %jit3A_184 = arith.constant 1 : i32
    %select_n3A_185 = arith.select %eq3A_183, %jit3A_184, %jit3A_181 : i32
    %rem3A_186 = vector.broadcast %select_n3A_185 : i32 to vector<256x32xi32>
    %rem3A_187 = arith.remsi %iota3A_116, %rem3A_186 : vector<256x32xi32>
    %ne3A_188 = arith.constant 0 : i32
    %ne3A_189 = vector.broadcast %ne3A_188 : i32 to vector<256x32xi32>
    %ne3A_190 = arith.cmpi ne, %rem3A_187, %ne3A_189 : vector<256x32xi32>
    %lt3A = arith.constant 0 : i32
    %lt3A_191 = vector.broadcast %lt3A : i32 to vector<256x32xi32>
    %lt3A_192 = arith.cmpi slt, %rem3A_187, %lt3A_191 : vector<256x32xi32>
    %lt3A_193 = arith.constant 0 : i32
    %lt3A_194 = arith.cmpi slt, %select_n3A_185, %lt3A_193 : i32
    %ne3A_195 = vector.broadcast %lt3A_194 : i1 to vector<256x32xi1>
    %ne3A_196 = vector.broadcast %ne3A_195 : vector<256x32xi1> to vector<256x32xi1>
    %ne3A_197 = arith.xori %lt3A_192, %ne3A_196 : vector<256x32xi1>
    %and3A_198 = arith.andi %ne3A_197, %ne3A_190 : vector<256x32xi1>
    %add3A_199 = vector.broadcast %select_n3A_185 : i32 to vector<256x32xi32>
    %add3A_200 = arith.addi %rem3A_187, %add3A_199 : vector<256x32xi32>
    %select_n3A_201 = arith.select %and3A_198, %add3A_200, %rem3A_187 : vector<256x32xi1>, vector<256x32xi32>
    %jit3A_202 = arith.constant 2 : i32
    %eq3A_203 = arith.constant 0 : i32
    %eq3A_204 = arith.cmpi eq, %jit3A_202, %eq3A_203 : i32
    %jit3A_205 = arith.constant 1 : i32
    %select_n3A_206 = arith.select %eq3A_204, %jit3A_205, %jit3A_202 : i32
    %rem3A_207 = vector.broadcast %select_n3A_206 : i32 to vector<256x32xi32>
    %rem3A_208 = arith.remsi %iota3A_117, %rem3A_207 : vector<256x32xi32>
    %ne3A_209 = arith.constant 0 : i32
    %ne3A_210 = vector.broadcast %ne3A_209 : i32 to vector<256x32xi32>
    %ne3A_211 = arith.cmpi ne, %rem3A_208, %ne3A_210 : vector<256x32xi32>
    %lt3A_212 = arith.constant 0 : i32
    %lt3A_213 = vector.broadcast %lt3A_212 : i32 to vector<256x32xi32>
    %lt3A_214 = arith.cmpi slt, %rem3A_208, %lt3A_213 : vector<256x32xi32>
    %lt3A_215 = arith.constant 0 : i32
    %lt3A_216 = arith.cmpi slt, %select_n3A_206, %lt3A_215 : i32
    %ne3A_217 = vector.broadcast %lt3A_216 : i1 to vector<256x32xi1>
    %ne3A_218 = vector.broadcast %ne3A_217 : vector<256x32xi1> to vector<256x32xi1>
    %ne3A_219 = arith.xori %lt3A_214, %ne3A_218 : vector<256x32xi1>
    %and3A_220 = arith.andi %ne3A_219, %ne3A_211 : vector<256x32xi1>
    %add3A_221 = vector.broadcast %select_n3A_206 : i32 to vector<256x32xi32>
    %add3A_222 = arith.addi %rem3A_208, %add3A_221 : vector<256x32xi32>
    %select_n3A_223 = arith.select %and3A_220, %add3A_222, %rem3A_208 : vector<256x32xi1>, vector<256x32xi32>
    %mul3A_224 = arith.constant 8 : i32
    %mul3A_225 = vector.broadcast %mul3A_224 : i32 to vector<256x32xi32>
    %mul3A_226 = arith.muli %select_n3A_223, %mul3A_225 : vector<256x32xi32>
    %add3A_227 = arith.constant 0 : i32
    %add3A_228 = vector.broadcast %add3A_227 : i32 to vector<256x32xi32>
    %add3A_229 = arith.addi %mul3A_226, %add3A_228 : vector<256x32xi32>
    %eq3A_230 = arith.cmpi eq, %select_n3A_201, %add3A_229 : vector<256x32xi32>
    %and3A_231 = arith.andi %eq3A_180, %eq3A_230 : vector<256x32xi1>
    %convert_element_type3A_232 = arith.extui %and3A_231 : vector<256x32xi1> to vector<256x32xi32>
    %convert_element_type3A_233 = arith.sitofp %convert_element_type3A_232 : vector<256x32xi32> to vector<256x32xf32>
    %jit3A_234 = arith.constant 16 : i32
    %div3A_235 = vector.broadcast %jit3A_234 : i32 to vector<256x32xi32>
    %div3A_236 = arith.divsi %iota3A_116, %div3A_235 : vector<256x32xi32>
    %sign3A_237 = arith.constant 0 : i32
    %sign3A_238 = vector.broadcast %sign3A_237 : i32 to vector<256x32xi32>
    %sign3A_239 = arith.cmpi sgt, %iota3A_116, %sign3A_238 : vector<256x32xi32>
    %sign3A_240 = arith.extui %sign3A_239 : vector<256x32xi1> to vector<256x32xi32>
    %sign3A_241 = arith.constant 0 : i32
    %sign3A_242 = vector.broadcast %sign3A_241 : i32 to vector<256x32xi32>
    %sign3A_243 = arith.cmpi slt, %iota3A_116, %sign3A_242 : vector<256x32xi32>
    %sign3A_244 = arith.extui %sign3A_243 : vector<256x32xi1> to vector<256x32xi32>
    %sign3A_245 = arith.subi %sign3A_240, %sign3A_244 : vector<256x32xi32>
    %sign3A_246 = arith.constant 0 : i32
    %sign3A_247 = arith.cmpi sgt, %jit3A_234, %sign3A_246 : i32
    %sign3A_248 = arith.extui %sign3A_247 : i1 to i32
    %sign3A_249 = arith.constant 0 : i32
    %sign3A_250 = arith.cmpi slt, %jit3A_234, %sign3A_249 : i32
    %sign3A_251 = arith.extui %sign3A_250 : i1 to i32
    %sign3A_252 = arith.subi %sign3A_248, %sign3A_251 : i32
    %ne3A_253 = vector.broadcast %sign3A_252 : i32 to vector<256x32xi32>
    %ne3A_254 = arith.cmpi ne, %sign3A_245, %ne3A_253 : vector<256x32xi32>
    %rem3A_255 = vector.broadcast %jit3A_234 : i32 to vector<256x32xi32>
    %rem3A_256 = arith.remsi %iota3A_116, %rem3A_255 : vector<256x32xi32>
    %ne3A_257 = arith.constant 0 : i32
    %ne3A_258 = vector.broadcast %ne3A_257 : i32 to vector<256x32xi32>
    %ne3A_259 = arith.cmpi ne, %rem3A_256, %ne3A_258 : vector<256x32xi32>
    %and3A_260 = arith.andi %ne3A_254, %ne3A_259 : vector<256x32xi1>
    %sub3A_261 = arith.constant 1 : i32
    %sub3A_262 = vector.broadcast %sub3A_261 : i32 to vector<256x32xi32>
    %sub3A_263 = arith.subi %div3A_236, %sub3A_262 : vector<256x32xi32>
    %select_n3A_264 = arith.select %and3A_260, %sub3A_263, %div3A_236 : vector<256x32xi1>, vector<256x32xi32>
    %jit3A_265 = arith.constant 2 : i32
    %div3A_266 = vector.broadcast %jit3A_265 : i32 to vector<256x32xi32>
    %div3A_267 = arith.divsi %iota3A_117, %div3A_266 : vector<256x32xi32>
    %sign3A_268 = arith.constant 0 : i32
    %sign3A_269 = vector.broadcast %sign3A_268 : i32 to vector<256x32xi32>
    %sign3A_270 = arith.cmpi sgt, %iota3A_117, %sign3A_269 : vector<256x32xi32>
    %sign3A_271 = arith.extui %sign3A_270 : vector<256x32xi1> to vector<256x32xi32>
    %sign3A_272 = arith.constant 0 : i32
    %sign3A_273 = vector.broadcast %sign3A_272 : i32 to vector<256x32xi32>
    %sign3A_274 = arith.cmpi slt, %iota3A_117, %sign3A_273 : vector<256x32xi32>
    %sign3A_275 = arith.extui %sign3A_274 : vector<256x32xi1> to vector<256x32xi32>
    %sign3A_276 = arith.subi %sign3A_271, %sign3A_275 : vector<256x32xi32>
    %sign3A_277 = arith.constant 0 : i32
    %sign3A_278 = arith.cmpi sgt, %jit3A_265, %sign3A_277 : i32
    %sign3A_279 = arith.extui %sign3A_278 : i1 to i32
    %sign3A_280 = arith.constant 0 : i32
    %sign3A_281 = arith.cmpi slt, %jit3A_265, %sign3A_280 : i32
    %sign3A_282 = arith.extui %sign3A_281 : i1 to i32
    %sign3A_283 = arith.subi %sign3A_279, %sign3A_282 : i32
    %ne3A_284 = vector.broadcast %sign3A_283 : i32 to vector<256x32xi32>
    %ne3A_285 = arith.cmpi ne, %sign3A_276, %ne3A_284 : vector<256x32xi32>
    %rem3A_286 = vector.broadcast %jit3A_265 : i32 to vector<256x32xi32>
    %rem3A_287 = arith.remsi %iota3A_117, %rem3A_286 : vector<256x32xi32>
    %ne3A_288 = arith.constant 0 : i32
    %ne3A_289 = vector.broadcast %ne3A_288 : i32 to vector<256x32xi32>
    %ne3A_290 = arith.cmpi ne, %rem3A_287, %ne3A_289 : vector<256x32xi32>
    %and3A_291 = arith.andi %ne3A_285, %ne3A_290 : vector<256x32xi1>
    %sub3A_292 = arith.constant 1 : i32
    %sub3A_293 = vector.broadcast %sub3A_292 : i32 to vector<256x32xi32>
    %sub3A_294 = arith.subi %div3A_267, %sub3A_293 : vector<256x32xi32>
    %select_n3A_295 = arith.select %and3A_291, %sub3A_294, %div3A_267 : vector<256x32xi1>, vector<256x32xi32>
    %eq3A_296 = arith.cmpi eq, %select_n3A_264, %select_n3A_295 : vector<256x32xi32>
    %jit3A_297 = arith.constant 16 : i32
    %eq3A_298 = arith.constant 0 : i32
    %eq3A_299 = arith.cmpi eq, %jit3A_297, %eq3A_298 : i32
    %jit3A_300 = arith.constant 1 : i32
    %select_n3A_301 = arith.select %eq3A_299, %jit3A_300, %jit3A_297 : i32
    %rem3A_302 = vector.broadcast %select_n3A_301 : i32 to vector<256x32xi32>
    %rem3A_303 = arith.remsi %iota3A_116, %rem3A_302 : vector<256x32xi32>
    %ne3A_304 = arith.constant 0 : i32
    %ne3A_305 = vector.broadcast %ne3A_304 : i32 to vector<256x32xi32>
    %ne3A_306 = arith.cmpi ne, %rem3A_303, %ne3A_305 : vector<256x32xi32>
    %lt3A_307 = arith.constant 0 : i32
    %lt3A_308 = vector.broadcast %lt3A_307 : i32 to vector<256x32xi32>
    %lt3A_309 = arith.cmpi slt, %rem3A_303, %lt3A_308 : vector<256x32xi32>
    %lt3A_310 = arith.constant 0 : i32
    %lt3A_311 = arith.cmpi slt, %select_n3A_301, %lt3A_310 : i32
    %ne3A_312 = vector.broadcast %lt3A_311 : i1 to vector<256x32xi1>
    %ne3A_313 = vector.broadcast %ne3A_312 : vector<256x32xi1> to vector<256x32xi1>
    %ne3A_314 = arith.xori %lt3A_309, %ne3A_313 : vector<256x32xi1>
    %and3A_315 = arith.andi %ne3A_314, %ne3A_306 : vector<256x32xi1>
    %add3A_316 = vector.broadcast %select_n3A_301 : i32 to vector<256x32xi32>
    %add3A_317 = arith.addi %rem3A_303, %add3A_316 : vector<256x32xi32>
    %select_n3A_318 = arith.select %and3A_315, %add3A_317, %rem3A_303 : vector<256x32xi1>, vector<256x32xi32>
    %jit3A_319 = arith.constant 2 : i32
    %eq3A_320 = arith.constant 0 : i32
    %eq3A_321 = arith.cmpi eq, %jit3A_319, %eq3A_320 : i32
    %jit3A_322 = arith.constant 1 : i32
    %select_n3A_323 = arith.select %eq3A_321, %jit3A_322, %jit3A_319 : i32
    %rem3A_324 = vector.broadcast %select_n3A_323 : i32 to vector<256x32xi32>
    %rem3A_325 = arith.remsi %iota3A_117, %rem3A_324 : vector<256x32xi32>
    %ne3A_326 = arith.constant 0 : i32
    %ne3A_327 = vector.broadcast %ne3A_326 : i32 to vector<256x32xi32>
    %ne3A_328 = arith.cmpi ne, %rem3A_325, %ne3A_327 : vector<256x32xi32>
    %lt3A_329 = arith.constant 0 : i32
    %lt3A_330 = vector.broadcast %lt3A_329 : i32 to vector<256x32xi32>
    %lt3A_331 = arith.cmpi slt, %rem3A_325, %lt3A_330 : vector<256x32xi32>
    %lt3A_332 = arith.constant 0 : i32
    %lt3A_333 = arith.cmpi slt, %select_n3A_323, %lt3A_332 : i32
    %ne3A_334 = vector.broadcast %lt3A_333 : i1 to vector<256x32xi1>
    %ne3A_335 = vector.broadcast %ne3A_334 : vector<256x32xi1> to vector<256x32xi1>
    %ne3A_336 = arith.xori %lt3A_331, %ne3A_335 : vector<256x32xi1>
    %and3A_337 = arith.andi %ne3A_336, %ne3A_328 : vector<256x32xi1>
    %add3A_338 = vector.broadcast %select_n3A_323 : i32 to vector<256x32xi32>
    %add3A_339 = arith.addi %rem3A_325, %add3A_338 : vector<256x32xi32>
    %select_n3A_340 = arith.select %and3A_337, %add3A_339, %rem3A_325 : vector<256x32xi1>, vector<256x32xi32>
    %mul3A_341 = arith.constant 8 : i32
    %mul3A_342 = vector.broadcast %mul3A_341 : i32 to vector<256x32xi32>
    %mul3A_343 = arith.muli %select_n3A_340, %mul3A_342 : vector<256x32xi32>
    %add3A_344 = arith.constant 1 : i32
    %add3A_345 = vector.broadcast %add3A_344 : i32 to vector<256x32xi32>
    %add3A_346 = arith.addi %mul3A_343, %add3A_345 : vector<256x32xi32>
    %eq3A_347 = arith.cmpi eq, %select_n3A_318, %add3A_346 : vector<256x32xi32>
    %and3A_348 = arith.andi %eq3A_296, %eq3A_347 : vector<256x32xi1>
    %convert_element_type3A_349 = arith.extui %and3A_348 : vector<256x32xi1> to vector<256x32xi32>
    %convert_element_type3A_350 = arith.sitofp %convert_element_type3A_349 : vector<256x32xi32> to vector<256x32xf32>
    %jit3A_351 = arith.constant 16 : i32
    %div3A_352 = vector.broadcast %jit3A_351 : i32 to vector<256x32xi32>
    %div3A_353 = arith.divsi %iota3A_116, %div3A_352 : vector<256x32xi32>
    %sign3A_354 = arith.constant 0 : i32
    %sign3A_355 = vector.broadcast %sign3A_354 : i32 to vector<256x32xi32>
    %sign3A_356 = arith.cmpi sgt, %iota3A_116, %sign3A_355 : vector<256x32xi32>
    %sign3A_357 = arith.extui %sign3A_356 : vector<256x32xi1> to vector<256x32xi32>
    %sign3A_358 = arith.constant 0 : i32
    %sign3A_359 = vector.broadcast %sign3A_358 : i32 to vector<256x32xi32>
    %sign3A_360 = arith.cmpi slt, %iota3A_116, %sign3A_359 : vector<256x32xi32>
    %sign3A_361 = arith.extui %sign3A_360 : vector<256x32xi1> to vector<256x32xi32>
    %sign3A_362 = arith.subi %sign3A_357, %sign3A_361 : vector<256x32xi32>
    %sign3A_363 = arith.constant 0 : i32
    %sign3A_364 = arith.cmpi sgt, %jit3A_351, %sign3A_363 : i32
    %sign3A_365 = arith.extui %sign3A_364 : i1 to i32
    %sign3A_366 = arith.constant 0 : i32
    %sign3A_367 = arith.cmpi slt, %jit3A_351, %sign3A_366 : i32
    %sign3A_368 = arith.extui %sign3A_367 : i1 to i32
    %sign3A_369 = arith.subi %sign3A_365, %sign3A_368 : i32
    %ne3A_370 = vector.broadcast %sign3A_369 : i32 to vector<256x32xi32>
    %ne3A_371 = arith.cmpi ne, %sign3A_362, %ne3A_370 : vector<256x32xi32>
    %rem3A_372 = vector.broadcast %jit3A_351 : i32 to vector<256x32xi32>
    %rem3A_373 = arith.remsi %iota3A_116, %rem3A_372 : vector<256x32xi32>
    %ne3A_374 = arith.constant 0 : i32
    %ne3A_375 = vector.broadcast %ne3A_374 : i32 to vector<256x32xi32>
    %ne3A_376 = arith.cmpi ne, %rem3A_373, %ne3A_375 : vector<256x32xi32>
    %and3A_377 = arith.andi %ne3A_371, %ne3A_376 : vector<256x32xi1>
    %sub3A_378 = arith.constant 1 : i32
    %sub3A_379 = vector.broadcast %sub3A_378 : i32 to vector<256x32xi32>
    %sub3A_380 = arith.subi %div3A_353, %sub3A_379 : vector<256x32xi32>
    %select_n3A_381 = arith.select %and3A_377, %sub3A_380, %div3A_353 : vector<256x32xi1>, vector<256x32xi32>
    %jit3A_382 = arith.constant 2 : i32
    %div3A_383 = vector.broadcast %jit3A_382 : i32 to vector<256x32xi32>
    %div3A_384 = arith.divsi %iota3A_117, %div3A_383 : vector<256x32xi32>
    %sign3A_385 = arith.constant 0 : i32
    %sign3A_386 = vector.broadcast %sign3A_385 : i32 to vector<256x32xi32>
    %sign3A_387 = arith.cmpi sgt, %iota3A_117, %sign3A_386 : vector<256x32xi32>
    %sign3A_388 = arith.extui %sign3A_387 : vector<256x32xi1> to vector<256x32xi32>
    %sign3A_389 = arith.constant 0 : i32
    %sign3A_390 = vector.broadcast %sign3A_389 : i32 to vector<256x32xi32>
    %sign3A_391 = arith.cmpi slt, %iota3A_117, %sign3A_390 : vector<256x32xi32>
    %sign3A_392 = arith.extui %sign3A_391 : vector<256x32xi1> to vector<256x32xi32>
    %sign3A_393 = arith.subi %sign3A_388, %sign3A_392 : vector<256x32xi32>
    %sign3A_394 = arith.constant 0 : i32
    %sign3A_395 = arith.cmpi sgt, %jit3A_382, %sign3A_394 : i32
    %sign3A_396 = arith.extui %sign3A_395 : i1 to i32
    %sign3A_397 = arith.constant 0 : i32
    %sign3A_398 = arith.cmpi slt, %jit3A_382, %sign3A_397 : i32
    %sign3A_399 = arith.extui %sign3A_398 : i1 to i32
    %sign3A_400 = arith.subi %sign3A_396, %sign3A_399 : i32
    %ne3A_401 = vector.broadcast %sign3A_400 : i32 to vector<256x32xi32>
    %ne3A_402 = arith.cmpi ne, %sign3A_393, %ne3A_401 : vector<256x32xi32>
    %rem3A_403 = vector.broadcast %jit3A_382 : i32 to vector<256x32xi32>
    %rem3A_404 = arith.remsi %iota3A_117, %rem3A_403 : vector<256x32xi32>
    %ne3A_405 = arith.constant 0 : i32
    %ne3A_406 = vector.broadcast %ne3A_405 : i32 to vector<256x32xi32>
    %ne3A_407 = arith.cmpi ne, %rem3A_404, %ne3A_406 : vector<256x32xi32>
    %and3A_408 = arith.andi %ne3A_402, %ne3A_407 : vector<256x32xi1>
    %sub3A_409 = arith.constant 1 : i32
    %sub3A_410 = vector.broadcast %sub3A_409 : i32 to vector<256x32xi32>
    %sub3A_411 = arith.subi %div3A_384, %sub3A_410 : vector<256x32xi32>
    %select_n3A_412 = arith.select %and3A_408, %sub3A_411, %div3A_384 : vector<256x32xi1>, vector<256x32xi32>
    %eq3A_413 = arith.cmpi eq, %select_n3A_381, %select_n3A_412 : vector<256x32xi32>
    %jit3A_414 = arith.constant 16 : i32
    %eq3A_415 = arith.constant 0 : i32
    %eq3A_416 = arith.cmpi eq, %jit3A_414, %eq3A_415 : i32
    %jit3A_417 = arith.constant 1 : i32
    %select_n3A_418 = arith.select %eq3A_416, %jit3A_417, %jit3A_414 : i32
    %rem3A_419 = vector.broadcast %select_n3A_418 : i32 to vector<256x32xi32>
    %rem3A_420 = arith.remsi %iota3A_116, %rem3A_419 : vector<256x32xi32>
    %ne3A_421 = arith.constant 0 : i32
    %ne3A_422 = vector.broadcast %ne3A_421 : i32 to vector<256x32xi32>
    %ne3A_423 = arith.cmpi ne, %rem3A_420, %ne3A_422 : vector<256x32xi32>
    %lt3A_424 = arith.constant 0 : i32
    %lt3A_425 = vector.broadcast %lt3A_424 : i32 to vector<256x32xi32>
    %lt3A_426 = arith.cmpi slt, %rem3A_420, %lt3A_425 : vector<256x32xi32>
    %lt3A_427 = arith.constant 0 : i32
    %lt3A_428 = arith.cmpi slt, %select_n3A_418, %lt3A_427 : i32
    %ne3A_429 = vector.broadcast %lt3A_428 : i1 to vector<256x32xi1>
    %ne3A_430 = vector.broadcast %ne3A_429 : vector<256x32xi1> to vector<256x32xi1>
    %ne3A_431 = arith.xori %lt3A_426, %ne3A_430 : vector<256x32xi1>
    %and3A_432 = arith.andi %ne3A_431, %ne3A_423 : vector<256x32xi1>
    %add3A_433 = vector.broadcast %select_n3A_418 : i32 to vector<256x32xi32>
    %add3A_434 = arith.addi %rem3A_420, %add3A_433 : vector<256x32xi32>
    %select_n3A_435 = arith.select %and3A_432, %add3A_434, %rem3A_420 : vector<256x32xi1>, vector<256x32xi32>
    %jit3A_436 = arith.constant 2 : i32
    %eq3A_437 = arith.constant 0 : i32
    %eq3A_438 = arith.cmpi eq, %jit3A_436, %eq3A_437 : i32
    %jit3A_439 = arith.constant 1 : i32
    %select_n3A_440 = arith.select %eq3A_438, %jit3A_439, %jit3A_436 : i32
    %rem3A_441 = vector.broadcast %select_n3A_440 : i32 to vector<256x32xi32>
    %rem3A_442 = arith.remsi %iota3A_117, %rem3A_441 : vector<256x32xi32>
    %ne3A_443 = arith.constant 0 : i32
    %ne3A_444 = vector.broadcast %ne3A_443 : i32 to vector<256x32xi32>
    %ne3A_445 = arith.cmpi ne, %rem3A_442, %ne3A_444 : vector<256x32xi32>
    %lt3A_446 = arith.constant 0 : i32
    %lt3A_447 = vector.broadcast %lt3A_446 : i32 to vector<256x32xi32>
    %lt3A_448 = arith.cmpi slt, %rem3A_442, %lt3A_447 : vector<256x32xi32>
    %lt3A_449 = arith.constant 0 : i32
    %lt3A_450 = arith.cmpi slt, %select_n3A_440, %lt3A_449 : i32
    %ne3A_451 = vector.broadcast %lt3A_450 : i1 to vector<256x32xi1>
    %ne3A_452 = vector.broadcast %ne3A_451 : vector<256x32xi1> to vector<256x32xi1>
    %ne3A_453 = arith.xori %lt3A_448, %ne3A_452 : vector<256x32xi1>
    %and3A_454 = arith.andi %ne3A_453, %ne3A_445 : vector<256x32xi1>
    %add3A_455 = vector.broadcast %select_n3A_440 : i32 to vector<256x32xi32>
    %add3A_456 = arith.addi %rem3A_442, %add3A_455 : vector<256x32xi32>
    %select_n3A_457 = arith.select %and3A_454, %add3A_456, %rem3A_442 : vector<256x32xi1>, vector<256x32xi32>
    %mul3A_458 = arith.constant 8 : i32
    %mul3A_459 = vector.broadcast %mul3A_458 : i32 to vector<256x32xi32>
    %mul3A_460 = arith.muli %select_n3A_457, %mul3A_459 : vector<256x32xi32>
    %add3A_461 = arith.constant 2 : i32
    %add3A_462 = vector.broadcast %add3A_461 : i32 to vector<256x32xi32>
    %add3A_463 = arith.addi %mul3A_460, %add3A_462 : vector<256x32xi32>
    %eq3A_464 = arith.cmpi eq, %select_n3A_435, %add3A_463 : vector<256x32xi32>
    %and3A_465 = arith.andi %eq3A_413, %eq3A_464 : vector<256x32xi1>
    %convert_element_type3A_466 = arith.extui %and3A_465 : vector<256x32xi1> to vector<256x32xi32>
    %convert_element_type3A_467 = arith.sitofp %convert_element_type3A_466 : vector<256x32xi32> to vector<256x32xf32>
    %jit3A_468 = arith.constant 16 : i32
    %div3A_469 = vector.broadcast %jit3A_468 : i32 to vector<256x32xi32>
    %div3A_470 = arith.divsi %iota3A_116, %div3A_469 : vector<256x32xi32>
    %sign3A_471 = arith.constant 0 : i32
    %sign3A_472 = vector.broadcast %sign3A_471 : i32 to vector<256x32xi32>
    %sign3A_473 = arith.cmpi sgt, %iota3A_116, %sign3A_472 : vector<256x32xi32>
    %sign3A_474 = arith.extui %sign3A_473 : vector<256x32xi1> to vector<256x32xi32>
    %sign3A_475 = arith.constant 0 : i32
    %sign3A_476 = vector.broadcast %sign3A_475 : i32 to vector<256x32xi32>
    %sign3A_477 = arith.cmpi slt, %iota3A_116, %sign3A_476 : vector<256x32xi32>
    %sign3A_478 = arith.extui %sign3A_477 : vector<256x32xi1> to vector<256x32xi32>
    %sign3A_479 = arith.subi %sign3A_474, %sign3A_478 : vector<256x32xi32>
    %sign3A_480 = arith.constant 0 : i32
    %sign3A_481 = arith.cmpi sgt, %jit3A_468, %sign3A_480 : i32
    %sign3A_482 = arith.extui %sign3A_481 : i1 to i32
    %sign3A_483 = arith.constant 0 : i32
    %sign3A_484 = arith.cmpi slt, %jit3A_468, %sign3A_483 : i32
    %sign3A_485 = arith.extui %sign3A_484 : i1 to i32
    %sign3A_486 = arith.subi %sign3A_482, %sign3A_485 : i32
    %ne3A_487 = vector.broadcast %sign3A_486 : i32 to vector<256x32xi32>
    %ne3A_488 = arith.cmpi ne, %sign3A_479, %ne3A_487 : vector<256x32xi32>
    %rem3A_489 = vector.broadcast %jit3A_468 : i32 to vector<256x32xi32>
    %rem3A_490 = arith.remsi %iota3A_116, %rem3A_489 : vector<256x32xi32>
    %ne3A_491 = arith.constant 0 : i32
    %ne3A_492 = vector.broadcast %ne3A_491 : i32 to vector<256x32xi32>
    %ne3A_493 = arith.cmpi ne, %rem3A_490, %ne3A_492 : vector<256x32xi32>
    %and3A_494 = arith.andi %ne3A_488, %ne3A_493 : vector<256x32xi1>
    %sub3A_495 = arith.constant 1 : i32
    %sub3A_496 = vector.broadcast %sub3A_495 : i32 to vector<256x32xi32>
    %sub3A_497 = arith.subi %div3A_470, %sub3A_496 : vector<256x32xi32>
    %select_n3A_498 = arith.select %and3A_494, %sub3A_497, %div3A_470 : vector<256x32xi1>, vector<256x32xi32>
    %jit3A_499 = arith.constant 2 : i32
    %div3A_500 = vector.broadcast %jit3A_499 : i32 to vector<256x32xi32>
    %div3A_501 = arith.divsi %iota3A_117, %div3A_500 : vector<256x32xi32>
    %sign3A_502 = arith.constant 0 : i32
    %sign3A_503 = vector.broadcast %sign3A_502 : i32 to vector<256x32xi32>
    %sign3A_504 = arith.cmpi sgt, %iota3A_117, %sign3A_503 : vector<256x32xi32>
    %sign3A_505 = arith.extui %sign3A_504 : vector<256x32xi1> to vector<256x32xi32>
    %sign3A_506 = arith.constant 0 : i32
    %sign3A_507 = vector.broadcast %sign3A_506 : i32 to vector<256x32xi32>
    %sign3A_508 = arith.cmpi slt, %iota3A_117, %sign3A_507 : vector<256x32xi32>
    %sign3A_509 = arith.extui %sign3A_508 : vector<256x32xi1> to vector<256x32xi32>
    %sign3A_510 = arith.subi %sign3A_505, %sign3A_509 : vector<256x32xi32>
    %sign3A_511 = arith.constant 0 : i32
    %sign3A_512 = arith.cmpi sgt, %jit3A_499, %sign3A_511 : i32
    %sign3A_513 = arith.extui %sign3A_512 : i1 to i32
    %sign3A_514 = arith.constant 0 : i32
    %sign3A_515 = arith.cmpi slt, %jit3A_499, %sign3A_514 : i32
    %sign3A_516 = arith.extui %sign3A_515 : i1 to i32
    %sign3A_517 = arith.subi %sign3A_513, %sign3A_516 : i32
    %ne3A_518 = vector.broadcast %sign3A_517 : i32 to vector<256x32xi32>
    %ne3A_519 = arith.cmpi ne, %sign3A_510, %ne3A_518 : vector<256x32xi32>
    %rem3A_520 = vector.broadcast %jit3A_499 : i32 to vector<256x32xi32>
    %rem3A_521 = arith.remsi %iota3A_117, %rem3A_520 : vector<256x32xi32>
    %ne3A_522 = arith.constant 0 : i32
    %ne3A_523 = vector.broadcast %ne3A_522 : i32 to vector<256x32xi32>
    %ne3A_524 = arith.cmpi ne, %rem3A_521, %ne3A_523 : vector<256x32xi32>
    %and3A_525 = arith.andi %ne3A_519, %ne3A_524 : vector<256x32xi1>
    %sub3A_526 = arith.constant 1 : i32
    %sub3A_527 = vector.broadcast %sub3A_526 : i32 to vector<256x32xi32>
    %sub3A_528 = arith.subi %div3A_501, %sub3A_527 : vector<256x32xi32>
    %select_n3A_529 = arith.select %and3A_525, %sub3A_528, %div3A_501 : vector<256x32xi1>, vector<256x32xi32>
    %eq3A_530 = arith.cmpi eq, %select_n3A_498, %select_n3A_529 : vector<256x32xi32>
    %jit3A_531 = arith.constant 16 : i32
    %eq3A_532 = arith.constant 0 : i32
    %eq3A_533 = arith.cmpi eq, %jit3A_531, %eq3A_532 : i32
    %jit3A_534 = arith.constant 1 : i32
    %select_n3A_535 = arith.select %eq3A_533, %jit3A_534, %jit3A_531 : i32
    %rem3A_536 = vector.broadcast %select_n3A_535 : i32 to vector<256x32xi32>
    %rem3A_537 = arith.remsi %iota3A_116, %rem3A_536 : vector<256x32xi32>
    %ne3A_538 = arith.constant 0 : i32
    %ne3A_539 = vector.broadcast %ne3A_538 : i32 to vector<256x32xi32>
    %ne3A_540 = arith.cmpi ne, %rem3A_537, %ne3A_539 : vector<256x32xi32>
    %lt3A_541 = arith.constant 0 : i32
    %lt3A_542 = vector.broadcast %lt3A_541 : i32 to vector<256x32xi32>
    %lt3A_543 = arith.cmpi slt, %rem3A_537, %lt3A_542 : vector<256x32xi32>
    %lt3A_544 = arith.constant 0 : i32
    %lt3A_545 = arith.cmpi slt, %select_n3A_535, %lt3A_544 : i32
    %ne3A_546 = vector.broadcast %lt3A_545 : i1 to vector<256x32xi1>
    %ne3A_547 = vector.broadcast %ne3A_546 : vector<256x32xi1> to vector<256x32xi1>
    %ne3A_548 = arith.xori %lt3A_543, %ne3A_547 : vector<256x32xi1>
    %and3A_549 = arith.andi %ne3A_548, %ne3A_540 : vector<256x32xi1>
    %add3A_550 = vector.broadcast %select_n3A_535 : i32 to vector<256x32xi32>
    %add3A_551 = arith.addi %rem3A_537, %add3A_550 : vector<256x32xi32>
    %select_n3A_552 = arith.select %and3A_549, %add3A_551, %rem3A_537 : vector<256x32xi1>, vector<256x32xi32>
    %jit3A_553 = arith.constant 2 : i32
    %eq3A_554 = arith.constant 0 : i32
    %eq3A_555 = arith.cmpi eq, %jit3A_553, %eq3A_554 : i32
    %jit3A_556 = arith.constant 1 : i32
    %select_n3A_557 = arith.select %eq3A_555, %jit3A_556, %jit3A_553 : i32
    %rem3A_558 = vector.broadcast %select_n3A_557 : i32 to vector<256x32xi32>
    %rem3A_559 = arith.remsi %iota3A_117, %rem3A_558 : vector<256x32xi32>
    %ne3A_560 = arith.constant 0 : i32
    %ne3A_561 = vector.broadcast %ne3A_560 : i32 to vector<256x32xi32>
    %ne3A_562 = arith.cmpi ne, %rem3A_559, %ne3A_561 : vector<256x32xi32>
    %lt3A_563 = arith.constant 0 : i32
    %lt3A_564 = vector.broadcast %lt3A_563 : i32 to vector<256x32xi32>
    %lt3A_565 = arith.cmpi slt, %rem3A_559, %lt3A_564 : vector<256x32xi32>
    %lt3A_566 = arith.constant 0 : i32
    %lt3A_567 = arith.cmpi slt, %select_n3A_557, %lt3A_566 : i32
    %ne3A_568 = vector.broadcast %lt3A_567 : i1 to vector<256x32xi1>
    %ne3A_569 = vector.broadcast %ne3A_568 : vector<256x32xi1> to vector<256x32xi1>
    %ne3A_570 = arith.xori %lt3A_565, %ne3A_569 : vector<256x32xi1>
    %and3A_571 = arith.andi %ne3A_570, %ne3A_562 : vector<256x32xi1>
    %add3A_572 = vector.broadcast %select_n3A_557 : i32 to vector<256x32xi32>
    %add3A_573 = arith.addi %rem3A_559, %add3A_572 : vector<256x32xi32>
    %select_n3A_574 = arith.select %and3A_571, %add3A_573, %rem3A_559 : vector<256x32xi1>, vector<256x32xi32>
    %mul3A_575 = arith.constant 8 : i32
    %mul3A_576 = vector.broadcast %mul3A_575 : i32 to vector<256x32xi32>
    %mul3A_577 = arith.muli %select_n3A_574, %mul3A_576 : vector<256x32xi32>
    %add3A_578 = arith.constant 3 : i32
    %add3A_579 = vector.broadcast %add3A_578 : i32 to vector<256x32xi32>
    %add3A_580 = arith.addi %mul3A_577, %add3A_579 : vector<256x32xi32>
    %eq3A_581 = arith.cmpi eq, %select_n3A_552, %add3A_580 : vector<256x32xi32>
    %and3A_582 = arith.andi %eq3A_530, %eq3A_581 : vector<256x32xi1>
    %convert_element_type3A_583 = arith.extui %and3A_582 : vector<256x32xi1> to vector<256x32xi32>
    %convert_element_type3A_584 = arith.sitofp %convert_element_type3A_583 : vector<256x32xi32> to vector<256x32xf32>
    %jit3A_585 = arith.constant 16 : i32
    %div3A_586 = vector.broadcast %jit3A_585 : i32 to vector<256x32xi32>
    %div3A_587 = arith.divsi %iota3A_116, %div3A_586 : vector<256x32xi32>
    %sign3A_588 = arith.constant 0 : i32
    %sign3A_589 = vector.broadcast %sign3A_588 : i32 to vector<256x32xi32>
    %sign3A_590 = arith.cmpi sgt, %iota3A_116, %sign3A_589 : vector<256x32xi32>
    %sign3A_591 = arith.extui %sign3A_590 : vector<256x32xi1> to vector<256x32xi32>
    %sign3A_592 = arith.constant 0 : i32
    %sign3A_593 = vector.broadcast %sign3A_592 : i32 to vector<256x32xi32>
    %sign3A_594 = arith.cmpi slt, %iota3A_116, %sign3A_593 : vector<256x32xi32>
    %sign3A_595 = arith.extui %sign3A_594 : vector<256x32xi1> to vector<256x32xi32>
    %sign3A_596 = arith.subi %sign3A_591, %sign3A_595 : vector<256x32xi32>
    %sign3A_597 = arith.constant 0 : i32
    %sign3A_598 = arith.cmpi sgt, %jit3A_585, %sign3A_597 : i32
    %sign3A_599 = arith.extui %sign3A_598 : i1 to i32
    %sign3A_600 = arith.constant 0 : i32
    %sign3A_601 = arith.cmpi slt, %jit3A_585, %sign3A_600 : i32
    %sign3A_602 = arith.extui %sign3A_601 : i1 to i32
    %sign3A_603 = arith.subi %sign3A_599, %sign3A_602 : i32
    %ne3A_604 = vector.broadcast %sign3A_603 : i32 to vector<256x32xi32>
    %ne3A_605 = arith.cmpi ne, %sign3A_596, %ne3A_604 : vector<256x32xi32>
    %rem3A_606 = vector.broadcast %jit3A_585 : i32 to vector<256x32xi32>
    %rem3A_607 = arith.remsi %iota3A_116, %rem3A_606 : vector<256x32xi32>
    %ne3A_608 = arith.constant 0 : i32
    %ne3A_609 = vector.broadcast %ne3A_608 : i32 to vector<256x32xi32>
    %ne3A_610 = arith.cmpi ne, %rem3A_607, %ne3A_609 : vector<256x32xi32>
    %and3A_611 = arith.andi %ne3A_605, %ne3A_610 : vector<256x32xi1>
    %sub3A_612 = arith.constant 1 : i32
    %sub3A_613 = vector.broadcast %sub3A_612 : i32 to vector<256x32xi32>
    %sub3A_614 = arith.subi %div3A_587, %sub3A_613 : vector<256x32xi32>
    %select_n3A_615 = arith.select %and3A_611, %sub3A_614, %div3A_587 : vector<256x32xi1>, vector<256x32xi32>
    %jit3A_616 = arith.constant 2 : i32
    %div3A_617 = vector.broadcast %jit3A_616 : i32 to vector<256x32xi32>
    %div3A_618 = arith.divsi %iota3A_117, %div3A_617 : vector<256x32xi32>
    %sign3A_619 = arith.constant 0 : i32
    %sign3A_620 = vector.broadcast %sign3A_619 : i32 to vector<256x32xi32>
    %sign3A_621 = arith.cmpi sgt, %iota3A_117, %sign3A_620 : vector<256x32xi32>
    %sign3A_622 = arith.extui %sign3A_621 : vector<256x32xi1> to vector<256x32xi32>
    %sign3A_623 = arith.constant 0 : i32
    %sign3A_624 = vector.broadcast %sign3A_623 : i32 to vector<256x32xi32>
    %sign3A_625 = arith.cmpi slt, %iota3A_117, %sign3A_624 : vector<256x32xi32>
    %sign3A_626 = arith.extui %sign3A_625 : vector<256x32xi1> to vector<256x32xi32>
    %sign3A_627 = arith.subi %sign3A_622, %sign3A_626 : vector<256x32xi32>
    %sign3A_628 = arith.constant 0 : i32
    %sign3A_629 = arith.cmpi sgt, %jit3A_616, %sign3A_628 : i32
    %sign3A_630 = arith.extui %sign3A_629 : i1 to i32
    %sign3A_631 = arith.constant 0 : i32
    %sign3A_632 = arith.cmpi slt, %jit3A_616, %sign3A_631 : i32
    %sign3A_633 = arith.extui %sign3A_632 : i1 to i32
    %sign3A_634 = arith.subi %sign3A_630, %sign3A_633 : i32
    %ne3A_635 = vector.broadcast %sign3A_634 : i32 to vector<256x32xi32>
    %ne3A_636 = arith.cmpi ne, %sign3A_627, %ne3A_635 : vector<256x32xi32>
    %rem3A_637 = vector.broadcast %jit3A_616 : i32 to vector<256x32xi32>
    %rem3A_638 = arith.remsi %iota3A_117, %rem3A_637 : vector<256x32xi32>
    %ne3A_639 = arith.constant 0 : i32
    %ne3A_640 = vector.broadcast %ne3A_639 : i32 to vector<256x32xi32>
    %ne3A_641 = arith.cmpi ne, %rem3A_638, %ne3A_640 : vector<256x32xi32>
    %and3A_642 = arith.andi %ne3A_636, %ne3A_641 : vector<256x32xi1>
    %sub3A_643 = arith.constant 1 : i32
    %sub3A_644 = vector.broadcast %sub3A_643 : i32 to vector<256x32xi32>
    %sub3A_645 = arith.subi %div3A_618, %sub3A_644 : vector<256x32xi32>
    %select_n3A_646 = arith.select %and3A_642, %sub3A_645, %div3A_618 : vector<256x32xi1>, vector<256x32xi32>
    %eq3A_647 = arith.cmpi eq, %select_n3A_615, %select_n3A_646 : vector<256x32xi32>
    %jit3A_648 = arith.constant 16 : i32
    %eq3A_649 = arith.constant 0 : i32
    %eq3A_650 = arith.cmpi eq, %jit3A_648, %eq3A_649 : i32
    %jit3A_651 = arith.constant 1 : i32
    %select_n3A_652 = arith.select %eq3A_650, %jit3A_651, %jit3A_648 : i32
    %rem3A_653 = vector.broadcast %select_n3A_652 : i32 to vector<256x32xi32>
    %rem3A_654 = arith.remsi %iota3A_116, %rem3A_653 : vector<256x32xi32>
    %ne3A_655 = arith.constant 0 : i32
    %ne3A_656 = vector.broadcast %ne3A_655 : i32 to vector<256x32xi32>
    %ne3A_657 = arith.cmpi ne, %rem3A_654, %ne3A_656 : vector<256x32xi32>
    %lt3A_658 = arith.constant 0 : i32
    %lt3A_659 = vector.broadcast %lt3A_658 : i32 to vector<256x32xi32>
    %lt3A_660 = arith.cmpi slt, %rem3A_654, %lt3A_659 : vector<256x32xi32>
    %lt3A_661 = arith.constant 0 : i32
    %lt3A_662 = arith.cmpi slt, %select_n3A_652, %lt3A_661 : i32
    %ne3A_663 = vector.broadcast %lt3A_662 : i1 to vector<256x32xi1>
    %ne3A_664 = vector.broadcast %ne3A_663 : vector<256x32xi1> to vector<256x32xi1>
    %ne3A_665 = arith.xori %lt3A_660, %ne3A_664 : vector<256x32xi1>
    %and3A_666 = arith.andi %ne3A_665, %ne3A_657 : vector<256x32xi1>
    %add3A_667 = vector.broadcast %select_n3A_652 : i32 to vector<256x32xi32>
    %add3A_668 = arith.addi %rem3A_654, %add3A_667 : vector<256x32xi32>
    %select_n3A_669 = arith.select %and3A_666, %add3A_668, %rem3A_654 : vector<256x32xi1>, vector<256x32xi32>
    %jit3A_670 = arith.constant 2 : i32
    %eq3A_671 = arith.constant 0 : i32
    %eq3A_672 = arith.cmpi eq, %jit3A_670, %eq3A_671 : i32
    %jit3A_673 = arith.constant 1 : i32
    %select_n3A_674 = arith.select %eq3A_672, %jit3A_673, %jit3A_670 : i32
    %rem3A_675 = vector.broadcast %select_n3A_674 : i32 to vector<256x32xi32>
    %rem3A_676 = arith.remsi %iota3A_117, %rem3A_675 : vector<256x32xi32>
    %ne3A_677 = arith.constant 0 : i32
    %ne3A_678 = vector.broadcast %ne3A_677 : i32 to vector<256x32xi32>
    %ne3A_679 = arith.cmpi ne, %rem3A_676, %ne3A_678 : vector<256x32xi32>
    %lt3A_680 = arith.constant 0 : i32
    %lt3A_681 = vector.broadcast %lt3A_680 : i32 to vector<256x32xi32>
    %lt3A_682 = arith.cmpi slt, %rem3A_676, %lt3A_681 : vector<256x32xi32>
    %lt3A_683 = arith.constant 0 : i32
    %lt3A_684 = arith.cmpi slt, %select_n3A_674, %lt3A_683 : i32
    %ne3A_685 = vector.broadcast %lt3A_684 : i1 to vector<256x32xi1>
    %ne3A_686 = vector.broadcast %ne3A_685 : vector<256x32xi1> to vector<256x32xi1>
    %ne3A_687 = arith.xori %lt3A_682, %ne3A_686 : vector<256x32xi1>
    %and3A_688 = arith.andi %ne3A_687, %ne3A_679 : vector<256x32xi1>
    %add3A_689 = vector.broadcast %select_n3A_674 : i32 to vector<256x32xi32>
    %add3A_690 = arith.addi %rem3A_676, %add3A_689 : vector<256x32xi32>
    %select_n3A_691 = arith.select %and3A_688, %add3A_690, %rem3A_676 : vector<256x32xi1>, vector<256x32xi32>
    %mul3A_692 = arith.constant 8 : i32
    %mul3A_693 = vector.broadcast %mul3A_692 : i32 to vector<256x32xi32>
    %mul3A_694 = arith.muli %select_n3A_691, %mul3A_693 : vector<256x32xi32>
    %add3A_695 = arith.constant 4 : i32
    %add3A_696 = vector.broadcast %add3A_695 : i32 to vector<256x32xi32>
    %add3A_697 = arith.addi %mul3A_694, %add3A_696 : vector<256x32xi32>
    %eq3A_698 = arith.cmpi eq, %select_n3A_669, %add3A_697 : vector<256x32xi32>
    %and3A_699 = arith.andi %eq3A_647, %eq3A_698 : vector<256x32xi1>
    %convert_element_type3A_700 = arith.extui %and3A_699 : vector<256x32xi1> to vector<256x32xi32>
    %convert_element_type3A_701 = arith.sitofp %convert_element_type3A_700 : vector<256x32xi32> to vector<256x32xf32>
    %jit3A_702 = arith.constant 16 : i32
    %div3A_703 = vector.broadcast %jit3A_702 : i32 to vector<256x32xi32>
    %div3A_704 = arith.divsi %iota3A_116, %div3A_703 : vector<256x32xi32>
    %sign3A_705 = arith.constant 0 : i32
    %sign3A_706 = vector.broadcast %sign3A_705 : i32 to vector<256x32xi32>
    %sign3A_707 = arith.cmpi sgt, %iota3A_116, %sign3A_706 : vector<256x32xi32>
    %sign3A_708 = arith.extui %sign3A_707 : vector<256x32xi1> to vector<256x32xi32>
    %sign3A_709 = arith.constant 0 : i32
    %sign3A_710 = vector.broadcast %sign3A_709 : i32 to vector<256x32xi32>
    %sign3A_711 = arith.cmpi slt, %iota3A_116, %sign3A_710 : vector<256x32xi32>
    %sign3A_712 = arith.extui %sign3A_711 : vector<256x32xi1> to vector<256x32xi32>
    %sign3A_713 = arith.subi %sign3A_708, %sign3A_712 : vector<256x32xi32>
    %sign3A_714 = arith.constant 0 : i32
    %sign3A_715 = arith.cmpi sgt, %jit3A_702, %sign3A_714 : i32
    %sign3A_716 = arith.extui %sign3A_715 : i1 to i32
    %sign3A_717 = arith.constant 0 : i32
    %sign3A_718 = arith.cmpi slt, %jit3A_702, %sign3A_717 : i32
    %sign3A_719 = arith.extui %sign3A_718 : i1 to i32
    %sign3A_720 = arith.subi %sign3A_716, %sign3A_719 : i32
    %ne3A_721 = vector.broadcast %sign3A_720 : i32 to vector<256x32xi32>
    %ne3A_722 = arith.cmpi ne, %sign3A_713, %ne3A_721 : vector<256x32xi32>
    %rem3A_723 = vector.broadcast %jit3A_702 : i32 to vector<256x32xi32>
    %rem3A_724 = arith.remsi %iota3A_116, %rem3A_723 : vector<256x32xi32>
    %ne3A_725 = arith.constant 0 : i32
    %ne3A_726 = vector.broadcast %ne3A_725 : i32 to vector<256x32xi32>
    %ne3A_727 = arith.cmpi ne, %rem3A_724, %ne3A_726 : vector<256x32xi32>
    %and3A_728 = arith.andi %ne3A_722, %ne3A_727 : vector<256x32xi1>
    %sub3A_729 = arith.constant 1 : i32
    %sub3A_730 = vector.broadcast %sub3A_729 : i32 to vector<256x32xi32>
    %sub3A_731 = arith.subi %div3A_704, %sub3A_730 : vector<256x32xi32>
    %select_n3A_732 = arith.select %and3A_728, %sub3A_731, %div3A_704 : vector<256x32xi1>, vector<256x32xi32>
    %jit3A_733 = arith.constant 2 : i32
    %div3A_734 = vector.broadcast %jit3A_733 : i32 to vector<256x32xi32>
    %div3A_735 = arith.divsi %iota3A_117, %div3A_734 : vector<256x32xi32>
    %sign3A_736 = arith.constant 0 : i32
    %sign3A_737 = vector.broadcast %sign3A_736 : i32 to vector<256x32xi32>
    %sign3A_738 = arith.cmpi sgt, %iota3A_117, %sign3A_737 : vector<256x32xi32>
    %sign3A_739 = arith.extui %sign3A_738 : vector<256x32xi1> to vector<256x32xi32>
    %sign3A_740 = arith.constant 0 : i32
    %sign3A_741 = vector.broadcast %sign3A_740 : i32 to vector<256x32xi32>
    %sign3A_742 = arith.cmpi slt, %iota3A_117, %sign3A_741 : vector<256x32xi32>
    %sign3A_743 = arith.extui %sign3A_742 : vector<256x32xi1> to vector<256x32xi32>
    %sign3A_744 = arith.subi %sign3A_739, %sign3A_743 : vector<256x32xi32>
    %sign3A_745 = arith.constant 0 : i32
    %sign3A_746 = arith.cmpi sgt, %jit3A_733, %sign3A_745 : i32
    %sign3A_747 = arith.extui %sign3A_746 : i1 to i32
    %sign3A_748 = arith.constant 0 : i32
    %sign3A_749 = arith.cmpi slt, %jit3A_733, %sign3A_748 : i32
    %sign3A_750 = arith.extui %sign3A_749 : i1 to i32
    %sign3A_751 = arith.subi %sign3A_747, %sign3A_750 : i32
    %ne3A_752 = vector.broadcast %sign3A_751 : i32 to vector<256x32xi32>
    %ne3A_753 = arith.cmpi ne, %sign3A_744, %ne3A_752 : vector<256x32xi32>
    %rem3A_754 = vector.broadcast %jit3A_733 : i32 to vector<256x32xi32>
    %rem3A_755 = arith.remsi %iota3A_117, %rem3A_754 : vector<256x32xi32>
    %ne3A_756 = arith.constant 0 : i32
    %ne3A_757 = vector.broadcast %ne3A_756 : i32 to vector<256x32xi32>
    %ne3A_758 = arith.cmpi ne, %rem3A_755, %ne3A_757 : vector<256x32xi32>
    %and3A_759 = arith.andi %ne3A_753, %ne3A_758 : vector<256x32xi1>
    %sub3A_760 = arith.constant 1 : i32
    %sub3A_761 = vector.broadcast %sub3A_760 : i32 to vector<256x32xi32>
    %sub3A_762 = arith.subi %div3A_735, %sub3A_761 : vector<256x32xi32>
    %select_n3A_763 = arith.select %and3A_759, %sub3A_762, %div3A_735 : vector<256x32xi1>, vector<256x32xi32>
    %eq3A_764 = arith.cmpi eq, %select_n3A_732, %select_n3A_763 : vector<256x32xi32>
    %jit3A_765 = arith.constant 16 : i32
    %eq3A_766 = arith.constant 0 : i32
    %eq3A_767 = arith.cmpi eq, %jit3A_765, %eq3A_766 : i32
    %jit3A_768 = arith.constant 1 : i32
    %select_n3A_769 = arith.select %eq3A_767, %jit3A_768, %jit3A_765 : i32
    %rem3A_770 = vector.broadcast %select_n3A_769 : i32 to vector<256x32xi32>
    %rem3A_771 = arith.remsi %iota3A_116, %rem3A_770 : vector<256x32xi32>
    %ne3A_772 = arith.constant 0 : i32
    %ne3A_773 = vector.broadcast %ne3A_772 : i32 to vector<256x32xi32>
    %ne3A_774 = arith.cmpi ne, %rem3A_771, %ne3A_773 : vector<256x32xi32>
    %lt3A_775 = arith.constant 0 : i32
    %lt3A_776 = vector.broadcast %lt3A_775 : i32 to vector<256x32xi32>
    %lt3A_777 = arith.cmpi slt, %rem3A_771, %lt3A_776 : vector<256x32xi32>
    %lt3A_778 = arith.constant 0 : i32
    %lt3A_779 = arith.cmpi slt, %select_n3A_769, %lt3A_778 : i32
    %ne3A_780 = vector.broadcast %lt3A_779 : i1 to vector<256x32xi1>
    %ne3A_781 = vector.broadcast %ne3A_780 : vector<256x32xi1> to vector<256x32xi1>
    %ne3A_782 = arith.xori %lt3A_777, %ne3A_781 : vector<256x32xi1>
    %and3A_783 = arith.andi %ne3A_782, %ne3A_774 : vector<256x32xi1>
    %add3A_784 = vector.broadcast %select_n3A_769 : i32 to vector<256x32xi32>
    %add3A_785 = arith.addi %rem3A_771, %add3A_784 : vector<256x32xi32>
    %select_n3A_786 = arith.select %and3A_783, %add3A_785, %rem3A_771 : vector<256x32xi1>, vector<256x32xi32>
    %jit3A_787 = arith.constant 2 : i32
    %eq3A_788 = arith.constant 0 : i32
    %eq3A_789 = arith.cmpi eq, %jit3A_787, %eq3A_788 : i32
    %jit3A_790 = arith.constant 1 : i32
    %select_n3A_791 = arith.select %eq3A_789, %jit3A_790, %jit3A_787 : i32
    %rem3A_792 = vector.broadcast %select_n3A_791 : i32 to vector<256x32xi32>
    %rem3A_793 = arith.remsi %iota3A_117, %rem3A_792 : vector<256x32xi32>
    %ne3A_794 = arith.constant 0 : i32
    %ne3A_795 = vector.broadcast %ne3A_794 : i32 to vector<256x32xi32>
    %ne3A_796 = arith.cmpi ne, %rem3A_793, %ne3A_795 : vector<256x32xi32>
    %lt3A_797 = arith.constant 0 : i32
    %lt3A_798 = vector.broadcast %lt3A_797 : i32 to vector<256x32xi32>
    %lt3A_799 = arith.cmpi slt, %rem3A_793, %lt3A_798 : vector<256x32xi32>
    %lt3A_800 = arith.constant 0 : i32
    %lt3A_801 = arith.cmpi slt, %select_n3A_791, %lt3A_800 : i32
    %ne3A_802 = vector.broadcast %lt3A_801 : i1 to vector<256x32xi1>
    %ne3A_803 = vector.broadcast %ne3A_802 : vector<256x32xi1> to vector<256x32xi1>
    %ne3A_804 = arith.xori %lt3A_799, %ne3A_803 : vector<256x32xi1>
    %and3A_805 = arith.andi %ne3A_804, %ne3A_796 : vector<256x32xi1>
    %add3A_806 = vector.broadcast %select_n3A_791 : i32 to vector<256x32xi32>
    %add3A_807 = arith.addi %rem3A_793, %add3A_806 : vector<256x32xi32>
    %select_n3A_808 = arith.select %and3A_805, %add3A_807, %rem3A_793 : vector<256x32xi1>, vector<256x32xi32>
    %mul3A_809 = arith.constant 8 : i32
    %mul3A_810 = vector.broadcast %mul3A_809 : i32 to vector<256x32xi32>
    %mul3A_811 = arith.muli %select_n3A_808, %mul3A_810 : vector<256x32xi32>
    %add3A_812 = arith.constant 5 : i32
    %add3A_813 = vector.broadcast %add3A_812 : i32 to vector<256x32xi32>
    %add3A_814 = arith.addi %mul3A_811, %add3A_813 : vector<256x32xi32>
    %eq3A_815 = arith.cmpi eq, %select_n3A_786, %add3A_814 : vector<256x32xi32>
    %and3A_816 = arith.andi %eq3A_764, %eq3A_815 : vector<256x32xi1>
    %convert_element_type3A_817 = arith.extui %and3A_816 : vector<256x32xi1> to vector<256x32xi32>
    %convert_element_type3A_818 = arith.sitofp %convert_element_type3A_817 : vector<256x32xi32> to vector<256x32xf32>
    %jit3A_819 = arith.constant 16 : i32
    %div3A_820 = vector.broadcast %jit3A_819 : i32 to vector<256x32xi32>
    %div3A_821 = arith.divsi %iota3A_116, %div3A_820 : vector<256x32xi32>
    %sign3A_822 = arith.constant 0 : i32
    %sign3A_823 = vector.broadcast %sign3A_822 : i32 to vector<256x32xi32>
    %sign3A_824 = arith.cmpi sgt, %iota3A_116, %sign3A_823 : vector<256x32xi32>
    %sign3A_825 = arith.extui %sign3A_824 : vector<256x32xi1> to vector<256x32xi32>
    %sign3A_826 = arith.constant 0 : i32
    %sign3A_827 = vector.broadcast %sign3A_826 : i32 to vector<256x32xi32>
    %sign3A_828 = arith.cmpi slt, %iota3A_116, %sign3A_827 : vector<256x32xi32>
    %sign3A_829 = arith.extui %sign3A_828 : vector<256x32xi1> to vector<256x32xi32>
    %sign3A_830 = arith.subi %sign3A_825, %sign3A_829 : vector<256x32xi32>
    %sign3A_831 = arith.constant 0 : i32
    %sign3A_832 = arith.cmpi sgt, %jit3A_819, %sign3A_831 : i32
    %sign3A_833 = arith.extui %sign3A_832 : i1 to i32
    %sign3A_834 = arith.constant 0 : i32
    %sign3A_835 = arith.cmpi slt, %jit3A_819, %sign3A_834 : i32
    %sign3A_836 = arith.extui %sign3A_835 : i1 to i32
    %sign3A_837 = arith.subi %sign3A_833, %sign3A_836 : i32
    %ne3A_838 = vector.broadcast %sign3A_837 : i32 to vector<256x32xi32>
    %ne3A_839 = arith.cmpi ne, %sign3A_830, %ne3A_838 : vector<256x32xi32>
    %rem3A_840 = vector.broadcast %jit3A_819 : i32 to vector<256x32xi32>
    %rem3A_841 = arith.remsi %iota3A_116, %rem3A_840 : vector<256x32xi32>
    %ne3A_842 = arith.constant 0 : i32
    %ne3A_843 = vector.broadcast %ne3A_842 : i32 to vector<256x32xi32>
    %ne3A_844 = arith.cmpi ne, %rem3A_841, %ne3A_843 : vector<256x32xi32>
    %and3A_845 = arith.andi %ne3A_839, %ne3A_844 : vector<256x32xi1>
    %sub3A_846 = arith.constant 1 : i32
    %sub3A_847 = vector.broadcast %sub3A_846 : i32 to vector<256x32xi32>
    %sub3A_848 = arith.subi %div3A_821, %sub3A_847 : vector<256x32xi32>
    %select_n3A_849 = arith.select %and3A_845, %sub3A_848, %div3A_821 : vector<256x32xi1>, vector<256x32xi32>
    %jit3A_850 = arith.constant 2 : i32
    %div3A_851 = vector.broadcast %jit3A_850 : i32 to vector<256x32xi32>
    %div3A_852 = arith.divsi %iota3A_117, %div3A_851 : vector<256x32xi32>
    %sign3A_853 = arith.constant 0 : i32
    %sign3A_854 = vector.broadcast %sign3A_853 : i32 to vector<256x32xi32>
    %sign3A_855 = arith.cmpi sgt, %iota3A_117, %sign3A_854 : vector<256x32xi32>
    %sign3A_856 = arith.extui %sign3A_855 : vector<256x32xi1> to vector<256x32xi32>
    %sign3A_857 = arith.constant 0 : i32
    %sign3A_858 = vector.broadcast %sign3A_857 : i32 to vector<256x32xi32>
    %sign3A_859 = arith.cmpi slt, %iota3A_117, %sign3A_858 : vector<256x32xi32>
    %sign3A_860 = arith.extui %sign3A_859 : vector<256x32xi1> to vector<256x32xi32>
    %sign3A_861 = arith.subi %sign3A_856, %sign3A_860 : vector<256x32xi32>
    %sign3A_862 = arith.constant 0 : i32
    %sign3A_863 = arith.cmpi sgt, %jit3A_850, %sign3A_862 : i32
    %sign3A_864 = arith.extui %sign3A_863 : i1 to i32
    %sign3A_865 = arith.constant 0 : i32
    %sign3A_866 = arith.cmpi slt, %jit3A_850, %sign3A_865 : i32
    %sign3A_867 = arith.extui %sign3A_866 : i1 to i32
    %sign3A_868 = arith.subi %sign3A_864, %sign3A_867 : i32
    %ne3A_869 = vector.broadcast %sign3A_868 : i32 to vector<256x32xi32>
    %ne3A_870 = arith.cmpi ne, %sign3A_861, %ne3A_869 : vector<256x32xi32>
    %rem3A_871 = vector.broadcast %jit3A_850 : i32 to vector<256x32xi32>
    %rem3A_872 = arith.remsi %iota3A_117, %rem3A_871 : vector<256x32xi32>
    %ne3A_873 = arith.constant 0 : i32
    %ne3A_874 = vector.broadcast %ne3A_873 : i32 to vector<256x32xi32>
    %ne3A_875 = arith.cmpi ne, %rem3A_872, %ne3A_874 : vector<256x32xi32>
    %and3A_876 = arith.andi %ne3A_870, %ne3A_875 : vector<256x32xi1>
    %sub3A_877 = arith.constant 1 : i32
    %sub3A_878 = vector.broadcast %sub3A_877 : i32 to vector<256x32xi32>
    %sub3A_879 = arith.subi %div3A_852, %sub3A_878 : vector<256x32xi32>
    %select_n3A_880 = arith.select %and3A_876, %sub3A_879, %div3A_852 : vector<256x32xi1>, vector<256x32xi32>
    %eq3A_881 = arith.cmpi eq, %select_n3A_849, %select_n3A_880 : vector<256x32xi32>
    %jit3A_882 = arith.constant 16 : i32
    %eq3A_883 = arith.constant 0 : i32
    %eq3A_884 = arith.cmpi eq, %jit3A_882, %eq3A_883 : i32
    %jit3A_885 = arith.constant 1 : i32
    %select_n3A_886 = arith.select %eq3A_884, %jit3A_885, %jit3A_882 : i32
    %rem3A_887 = vector.broadcast %select_n3A_886 : i32 to vector<256x32xi32>
    %rem3A_888 = arith.remsi %iota3A_116, %rem3A_887 : vector<256x32xi32>
    %ne3A_889 = arith.constant 0 : i32
    %ne3A_890 = vector.broadcast %ne3A_889 : i32 to vector<256x32xi32>
    %ne3A_891 = arith.cmpi ne, %rem3A_888, %ne3A_890 : vector<256x32xi32>
    %lt3A_892 = arith.constant 0 : i32
    %lt3A_893 = vector.broadcast %lt3A_892 : i32 to vector<256x32xi32>
    %lt3A_894 = arith.cmpi slt, %rem3A_888, %lt3A_893 : vector<256x32xi32>
    %lt3A_895 = arith.constant 0 : i32
    %lt3A_896 = arith.cmpi slt, %select_n3A_886, %lt3A_895 : i32
    %ne3A_897 = vector.broadcast %lt3A_896 : i1 to vector<256x32xi1>
    %ne3A_898 = vector.broadcast %ne3A_897 : vector<256x32xi1> to vector<256x32xi1>
    %ne3A_899 = arith.xori %lt3A_894, %ne3A_898 : vector<256x32xi1>
    %and3A_900 = arith.andi %ne3A_899, %ne3A_891 : vector<256x32xi1>
    %add3A_901 = vector.broadcast %select_n3A_886 : i32 to vector<256x32xi32>
    %add3A_902 = arith.addi %rem3A_888, %add3A_901 : vector<256x32xi32>
    %select_n3A_903 = arith.select %and3A_900, %add3A_902, %rem3A_888 : vector<256x32xi1>, vector<256x32xi32>
    %jit3A_904 = arith.constant 2 : i32
    %eq3A_905 = arith.constant 0 : i32
    %eq3A_906 = arith.cmpi eq, %jit3A_904, %eq3A_905 : i32
    %jit3A_907 = arith.constant 1 : i32
    %select_n3A_908 = arith.select %eq3A_906, %jit3A_907, %jit3A_904 : i32
    %rem3A_909 = vector.broadcast %select_n3A_908 : i32 to vector<256x32xi32>
    %rem3A_910 = arith.remsi %iota3A_117, %rem3A_909 : vector<256x32xi32>
    %ne3A_911 = arith.constant 0 : i32
    %ne3A_912 = vector.broadcast %ne3A_911 : i32 to vector<256x32xi32>
    %ne3A_913 = arith.cmpi ne, %rem3A_910, %ne3A_912 : vector<256x32xi32>
    %lt3A_914 = arith.constant 0 : i32
    %lt3A_915 = vector.broadcast %lt3A_914 : i32 to vector<256x32xi32>
    %lt3A_916 = arith.cmpi slt, %rem3A_910, %lt3A_915 : vector<256x32xi32>
    %lt3A_917 = arith.constant 0 : i32
    %lt3A_918 = arith.cmpi slt, %select_n3A_908, %lt3A_917 : i32
    %ne3A_919 = vector.broadcast %lt3A_918 : i1 to vector<256x32xi1>
    %ne3A_920 = vector.broadcast %ne3A_919 : vector<256x32xi1> to vector<256x32xi1>
    %ne3A_921 = arith.xori %lt3A_916, %ne3A_920 : vector<256x32xi1>
    %and3A_922 = arith.andi %ne3A_921, %ne3A_913 : vector<256x32xi1>
    %add3A_923 = vector.broadcast %select_n3A_908 : i32 to vector<256x32xi32>
    %add3A_924 = arith.addi %rem3A_910, %add3A_923 : vector<256x32xi32>
    %select_n3A_925 = arith.select %and3A_922, %add3A_924, %rem3A_910 : vector<256x32xi1>, vector<256x32xi32>
    %mul3A_926 = arith.constant 8 : i32
    %mul3A_927 = vector.broadcast %mul3A_926 : i32 to vector<256x32xi32>
    %mul3A_928 = arith.muli %select_n3A_925, %mul3A_927 : vector<256x32xi32>
    %add3A_929 = arith.constant 6 : i32
    %add3A_930 = vector.broadcast %add3A_929 : i32 to vector<256x32xi32>
    %add3A_931 = arith.addi %mul3A_928, %add3A_930 : vector<256x32xi32>
    %eq3A_932 = arith.cmpi eq, %select_n3A_903, %add3A_931 : vector<256x32xi32>
    %and3A_933 = arith.andi %eq3A_881, %eq3A_932 : vector<256x32xi1>
    %convert_element_type3A_934 = arith.extui %and3A_933 : vector<256x32xi1> to vector<256x32xi32>
    %convert_element_type3A_935 = arith.sitofp %convert_element_type3A_934 : vector<256x32xi32> to vector<256x32xf32>
    %jit3A_936 = arith.constant 16 : i32
    %div3A_937 = vector.broadcast %jit3A_936 : i32 to vector<256x32xi32>
    %div3A_938 = arith.divsi %iota3A_116, %div3A_937 : vector<256x32xi32>
    %sign3A_939 = arith.constant 0 : i32
    %sign3A_940 = vector.broadcast %sign3A_939 : i32 to vector<256x32xi32>
    %sign3A_941 = arith.cmpi sgt, %iota3A_116, %sign3A_940 : vector<256x32xi32>
    %sign3A_942 = arith.extui %sign3A_941 : vector<256x32xi1> to vector<256x32xi32>
    %sign3A_943 = arith.constant 0 : i32
    %sign3A_944 = vector.broadcast %sign3A_943 : i32 to vector<256x32xi32>
    %sign3A_945 = arith.cmpi slt, %iota3A_116, %sign3A_944 : vector<256x32xi32>
    %sign3A_946 = arith.extui %sign3A_945 : vector<256x32xi1> to vector<256x32xi32>
    %sign3A_947 = arith.subi %sign3A_942, %sign3A_946 : vector<256x32xi32>
    %sign3A_948 = arith.constant 0 : i32
    %sign3A_949 = arith.cmpi sgt, %jit3A_936, %sign3A_948 : i32
    %sign3A_950 = arith.extui %sign3A_949 : i1 to i32
    %sign3A_951 = arith.constant 0 : i32
    %sign3A_952 = arith.cmpi slt, %jit3A_936, %sign3A_951 : i32
    %sign3A_953 = arith.extui %sign3A_952 : i1 to i32
    %sign3A_954 = arith.subi %sign3A_950, %sign3A_953 : i32
    %ne3A_955 = vector.broadcast %sign3A_954 : i32 to vector<256x32xi32>
    %ne3A_956 = arith.cmpi ne, %sign3A_947, %ne3A_955 : vector<256x32xi32>
    %rem3A_957 = vector.broadcast %jit3A_936 : i32 to vector<256x32xi32>
    %rem3A_958 = arith.remsi %iota3A_116, %rem3A_957 : vector<256x32xi32>
    %ne3A_959 = arith.constant 0 : i32
    %ne3A_960 = vector.broadcast %ne3A_959 : i32 to vector<256x32xi32>
    %ne3A_961 = arith.cmpi ne, %rem3A_958, %ne3A_960 : vector<256x32xi32>
    %and3A_962 = arith.andi %ne3A_956, %ne3A_961 : vector<256x32xi1>
    %sub3A_963 = arith.constant 1 : i32
    %sub3A_964 = vector.broadcast %sub3A_963 : i32 to vector<256x32xi32>
    %sub3A_965 = arith.subi %div3A_938, %sub3A_964 : vector<256x32xi32>
    %select_n3A_966 = arith.select %and3A_962, %sub3A_965, %div3A_938 : vector<256x32xi1>, vector<256x32xi32>
    %jit3A_967 = arith.constant 2 : i32
    %div3A_968 = vector.broadcast %jit3A_967 : i32 to vector<256x32xi32>
    %div3A_969 = arith.divsi %iota3A_117, %div3A_968 : vector<256x32xi32>
    %sign3A_970 = arith.constant 0 : i32
    %sign3A_971 = vector.broadcast %sign3A_970 : i32 to vector<256x32xi32>
    %sign3A_972 = arith.cmpi sgt, %iota3A_117, %sign3A_971 : vector<256x32xi32>
    %sign3A_973 = arith.extui %sign3A_972 : vector<256x32xi1> to vector<256x32xi32>
    %sign3A_974 = arith.constant 0 : i32
    %sign3A_975 = vector.broadcast %sign3A_974 : i32 to vector<256x32xi32>
    %sign3A_976 = arith.cmpi slt, %iota3A_117, %sign3A_975 : vector<256x32xi32>
    %sign3A_977 = arith.extui %sign3A_976 : vector<256x32xi1> to vector<256x32xi32>
    %sign3A_978 = arith.subi %sign3A_973, %sign3A_977 : vector<256x32xi32>
    %sign3A_979 = arith.constant 0 : i32
    %sign3A_980 = arith.cmpi sgt, %jit3A_967, %sign3A_979 : i32
    %sign3A_981 = arith.extui %sign3A_980 : i1 to i32
    %sign3A_982 = arith.constant 0 : i32
    %sign3A_983 = arith.cmpi slt, %jit3A_967, %sign3A_982 : i32
    %sign3A_984 = arith.extui %sign3A_983 : i1 to i32
    %sign3A_985 = arith.subi %sign3A_981, %sign3A_984 : i32
    %ne3A_986 = vector.broadcast %sign3A_985 : i32 to vector<256x32xi32>
    %ne3A_987 = arith.cmpi ne, %sign3A_978, %ne3A_986 : vector<256x32xi32>
    %rem3A_988 = vector.broadcast %jit3A_967 : i32 to vector<256x32xi32>
    %rem3A_989 = arith.remsi %iota3A_117, %rem3A_988 : vector<256x32xi32>
    %ne3A_990 = arith.constant 0 : i32
    %ne3A_991 = vector.broadcast %ne3A_990 : i32 to vector<256x32xi32>
    %ne3A_992 = arith.cmpi ne, %rem3A_989, %ne3A_991 : vector<256x32xi32>
    %and3A_993 = arith.andi %ne3A_987, %ne3A_992 : vector<256x32xi1>
    %sub3A_994 = arith.constant 1 : i32
    %sub3A_995 = vector.broadcast %sub3A_994 : i32 to vector<256x32xi32>
    %sub3A_996 = arith.subi %div3A_969, %sub3A_995 : vector<256x32xi32>
    %select_n3A_997 = arith.select %and3A_993, %sub3A_996, %div3A_969 : vector<256x32xi1>, vector<256x32xi32>
    %eq3A_998 = arith.cmpi eq, %select_n3A_966, %select_n3A_997 : vector<256x32xi32>
    %jit3A_999 = arith.constant 16 : i32
    %eq3A_1000 = arith.constant 0 : i32
    %eq3A_1001 = arith.cmpi eq, %jit3A_999, %eq3A_1000 : i32
    %jit3A_1002 = arith.constant 1 : i32
    %select_n3A_1003 = arith.select %eq3A_1001, %jit3A_1002, %jit3A_999 : i32
    %rem3A_1004 = vector.broadcast %select_n3A_1003 : i32 to vector<256x32xi32>
    %rem3A_1005 = arith.remsi %iota3A_116, %rem3A_1004 : vector<256x32xi32>
    %ne3A_1006 = arith.constant 0 : i32
    %ne3A_1007 = vector.broadcast %ne3A_1006 : i32 to vector<256x32xi32>
    %ne3A_1008 = arith.cmpi ne, %rem3A_1005, %ne3A_1007 : vector<256x32xi32>
    %lt3A_1009 = arith.constant 0 : i32
    %lt3A_1010 = vector.broadcast %lt3A_1009 : i32 to vector<256x32xi32>
    %lt3A_1011 = arith.cmpi slt, %rem3A_1005, %lt3A_1010 : vector<256x32xi32>
    %lt3A_1012 = arith.constant 0 : i32
    %lt3A_1013 = arith.cmpi slt, %select_n3A_1003, %lt3A_1012 : i32
    %ne3A_1014 = vector.broadcast %lt3A_1013 : i1 to vector<256x32xi1>
    %ne3A_1015 = vector.broadcast %ne3A_1014 : vector<256x32xi1> to vector<256x32xi1>
    %ne3A_1016 = arith.xori %lt3A_1011, %ne3A_1015 : vector<256x32xi1>
    %and3A_1017 = arith.andi %ne3A_1016, %ne3A_1008 : vector<256x32xi1>
    %add3A_1018 = vector.broadcast %select_n3A_1003 : i32 to vector<256x32xi32>
    %add3A_1019 = arith.addi %rem3A_1005, %add3A_1018 : vector<256x32xi32>
    %select_n3A_1020 = arith.select %and3A_1017, %add3A_1019, %rem3A_1005 : vector<256x32xi1>, vector<256x32xi32>
    %jit3A_1021 = arith.constant 2 : i32
    %eq3A_1022 = arith.constant 0 : i32
    %eq3A_1023 = arith.cmpi eq, %jit3A_1021, %eq3A_1022 : i32
    %jit3A_1024 = arith.constant 1 : i32
    %select_n3A_1025 = arith.select %eq3A_1023, %jit3A_1024, %jit3A_1021 : i32
    %rem3A_1026 = vector.broadcast %select_n3A_1025 : i32 to vector<256x32xi32>
    %rem3A_1027 = arith.remsi %iota3A_117, %rem3A_1026 : vector<256x32xi32>
    %ne3A_1028 = arith.constant 0 : i32
    %ne3A_1029 = vector.broadcast %ne3A_1028 : i32 to vector<256x32xi32>
    %ne3A_1030 = arith.cmpi ne, %rem3A_1027, %ne3A_1029 : vector<256x32xi32>
    %lt3A_1031 = arith.constant 0 : i32
    %lt3A_1032 = vector.broadcast %lt3A_1031 : i32 to vector<256x32xi32>
    %lt3A_1033 = arith.cmpi slt, %rem3A_1027, %lt3A_1032 : vector<256x32xi32>
    %lt3A_1034 = arith.constant 0 : i32
    %lt3A_1035 = arith.cmpi slt, %select_n3A_1025, %lt3A_1034 : i32
    %ne3A_1036 = vector.broadcast %lt3A_1035 : i1 to vector<256x32xi1>
    %ne3A_1037 = vector.broadcast %ne3A_1036 : vector<256x32xi1> to vector<256x32xi1>
    %ne3A_1038 = arith.xori %lt3A_1033, %ne3A_1037 : vector<256x32xi1>
    %and3A_1039 = arith.andi %ne3A_1038, %ne3A_1030 : vector<256x32xi1>
    %add3A_1040 = vector.broadcast %select_n3A_1025 : i32 to vector<256x32xi32>
    %add3A_1041 = arith.addi %rem3A_1027, %add3A_1040 : vector<256x32xi32>
    %select_n3A_1042 = arith.select %and3A_1039, %add3A_1041, %rem3A_1027 : vector<256x32xi1>, vector<256x32xi32>
    %mul3A_1043 = arith.constant 8 : i32
    %mul3A_1044 = vector.broadcast %mul3A_1043 : i32 to vector<256x32xi32>
    %mul3A_1045 = arith.muli %select_n3A_1042, %mul3A_1044 : vector<256x32xi32>
    %add3A_1046 = arith.constant 7 : i32
    %add3A_1047 = vector.broadcast %add3A_1046 : i32 to vector<256x32xi32>
    %add3A_1048 = arith.addi %mul3A_1045, %add3A_1047 : vector<256x32xi32>
    %eq3A_1049 = arith.cmpi eq, %select_n3A_1020, %add3A_1048 : vector<256x32xi32>
    %and3A_1050 = arith.andi %eq3A_998, %eq3A_1049 : vector<256x32xi1>
    %convert_element_type3A_1051 = arith.extui %and3A_1050 : vector<256x32xi1> to vector<256x32xi32>
    %convert_element_type3A_1052 = arith.sitofp %convert_element_type3A_1051 : vector<256x32xi32> to vector<256x32xf32>
    %slice3A = vector.extract_strided_slice %dot_general3A_47 {offsets = [0, 0], sizes = [16, 256], strides = [1, 1]} : vector<384x256xf32> to vector<16x256xf32>
    %mul3A_1053 = arith.constant 2.500000e-01 : f32
    %mul3A_1054 = vector.broadcast %mul3A_1053 : f32 to vector<16x256xf32>
    %mul3A_1055 = arith.mulf %slice3A, %mul3A_1054 : vector<16x256xf32>
    %slice3A_1056 = vector.extract_strided_slice %dot_general3A_47 {offsets = [128, 0], sizes = [16, 256], strides = [1, 1]} : vector<384x256xf32> to vector<16x256xf32>
    %slice3A_1057 = vector.extract_strided_slice %dot_general3A_47 {offsets = [256, 0], sizes = [16, 256], strides = [1, 1]} : vector<384x256xf32> to vector<16x256xf32>
    %dot_general3A_1058 = arith.constant dense<0.000000e+00> : vector<256x256xf32>
    %dot_general3A_1059 = tpu.matmul %slice3A_1056, %mul3A_1055, %dot_general3A_1058 {dimension_numbers = #tpu.dot_dimension_numbers<[0], [0], [1], [1], [0, 1, 1, 1], [], []>, transpose_lhs_hint = false} : vector<16x256xf32>, vector<16x256xf32>, vector<256x256xf32> -> vector<256x256xf32>
    %exp3A = math.exp %dot_general3A_1059 : vector<256x256xf32>
    %mul3A_1060 = arith.mulf %exp3A, %convert_element_type3A_114 : vector<256x256xf32>
    %dot_general3A_1061 = arith.constant dense<0.000000e+00> : vector<1x256xf32>
    %dot_general3A_1062 = tpu.matmul %broadcast_in_dim3A_115, %mul3A_1060, %dot_general3A_1061 {dimension_numbers = #tpu.dot_dimension_numbers<[1], [0], [0], [1], [0, 0, 1, 1], [], []>, transpose_lhs_hint = false} : vector<1x256xf32>, vector<256x256xf32>, vector<1x256xf32> -> vector<1x256xf32>
    %dot_general3A_1063 = arith.constant dense<0.000000e+00> : vector<16x256xf32>
    %dot_general3A_1064 = tpu.matmul %slice3A_1057, %mul3A_1060, %dot_general3A_1063 {dimension_numbers = #tpu.dot_dimension_numbers<[1], [0], [0], [1], [0, 0, 1, 1], [], []>, transpose_lhs_hint = false} : vector<16x256xf32>, vector<256x256xf32>, vector<16x256xf32> -> vector<16x256xf32>
    %div3A_1065 = vector.broadcast %dot_general3A_1062 : vector<1x256xf32> to vector<16x256xf32>
    %div3A_1066 = arith.divf %dot_general3A_1064, %div3A_1065 : vector<16x256xf32>
    %dot_general3A_1067 = arith.constant dense<0.000000e+00> : vector<16x32xf32>
    %dot_general3A_1068 = tpu.matmul %div3A_1066, %convert_element_type3A_233, %dot_general3A_1067 {dimension_numbers = #tpu.dot_dimension_numbers<[1], [0], [0], [1], [0, 0, 1, 1], [], []>, transpose_lhs_hint = false} : vector<16x256xf32>, vector<256x32xf32>, vector<16x32xf32> -> vector<16x32xf32>
    %dot_general3A_1069 = arith.constant dense<0.000000e+00> : vector<16x32xf32>
    %dot_general3A_1070 = tpu.matmul %div3A_1066, %convert_element_type3A_350, %dot_general3A_1069 {dimension_numbers = #tpu.dot_dimension_numbers<[1], [0], [0], [1], [0, 0, 1, 1], [], []>, transpose_lhs_hint = false} : vector<16x256xf32>, vector<256x32xf32>, vector<16x32xf32> -> vector<16x32xf32>
    %dot_general3A_1071 = arith.constant dense<0.000000e+00> : vector<16x32xf32>
    %dot_general3A_1072 = tpu.matmul %div3A_1066, %convert_element_type3A_467, %dot_general3A_1071 {dimension_numbers = #tpu.dot_dimension_numbers<[1], [0], [0], [1], [0, 0, 1, 1], [], []>, transpose_lhs_hint = false} : vector<16x256xf32>, vector<256x32xf32>, vector<16x32xf32> -> vector<16x32xf32>
    %dot_general3A_1073 = arith.constant dense<0.000000e+00> : vector<16x32xf32>
    %dot_general3A_1074 = tpu.matmul %div3A_1066, %convert_element_type3A_584, %dot_general3A_1073 {dimension_numbers = #tpu.dot_dimension_numbers<[1], [0], [0], [1], [0, 0, 1, 1], [], []>, transpose_lhs_hint = false} : vector<16x256xf32>, vector<256x32xf32>, vector<16x32xf32> -> vector<16x32xf32>
    %dot_general3A_1075 = arith.constant dense<0.000000e+00> : vector<16x32xf32>
    %dot_general3A_1076 = tpu.matmul %div3A_1066, %convert_element_type3A_701, %dot_general3A_1075 {dimension_numbers = #tpu.dot_dimension_numbers<[1], [0], [0], [1], [0, 0, 1, 1], [], []>, transpose_lhs_hint = false} : vector<16x256xf32>, vector<256x32xf32>, vector<16x32xf32> -> vector<16x32xf32>
    %dot_general3A_1077 = arith.constant dense<0.000000e+00> : vector<16x32xf32>
    %dot_general3A_1078 = tpu.matmul %div3A_1066, %convert_element_type3A_818, %dot_general3A_1077 {dimension_numbers = #tpu.dot_dimension_numbers<[1], [0], [0], [1], [0, 0, 1, 1], [], []>, transpose_lhs_hint = false} : vector<16x256xf32>, vector<256x32xf32>, vector<16x32xf32> -> vector<16x32xf32>
    %dot_general3A_1079 = arith.constant dense<0.000000e+00> : vector<16x32xf32>
    %dot_general3A_1080 = tpu.matmul %div3A_1066, %convert_element_type3A_935, %dot_general3A_1079 {dimension_numbers = #tpu.dot_dimension_numbers<[1], [0], [0], [1], [0, 0, 1, 1], [], []>, transpose_lhs_hint = false} : vector<16x256xf32>, vector<256x32xf32>, vector<16x32xf32> -> vector<16x32xf32>
    %dot_general3A_1081 = arith.constant dense<0.000000e+00> : vector<16x32xf32>
    %dot_general3A_1082 = tpu.matmul %div3A_1066, %convert_element_type3A_1052, %dot_general3A_1081 {dimension_numbers = #tpu.dot_dimension_numbers<[1], [0], [0], [1], [0, 0, 1, 1], [], []>, transpose_lhs_hint = false} : vector<16x256xf32>, vector<256x32xf32>, vector<16x32xf32> -> vector<16x32xf32>
    %concatenate3A = tpu.concatenate %dot_general3A_1068, %dot_general3A_1070, %dot_general3A_1072, %dot_general3A_1074, %dot_general3A_1076, %dot_general3A_1078, %dot_general3A_1080, %dot_general3A_1082 in 0 : vector<16x32xf32>, vector<16x32xf32>, vector<16x32xf32>, vector<16x32xf32>, vector<16x32xf32>, vector<16x32xf32>, vector<16x32xf32>, vector<16x32xf32> -> vector<128x32xf32>
    %slice3A_1083 = vector.extract_strided_slice %dot_general3A_47 {offsets = [16, 0], sizes = [16, 256], strides = [1, 1]} : vector<384x256xf32> to vector<16x256xf32>
    %mul3A_1084 = arith.constant 2.500000e-01 : f32
    %mul3A_1085 = vector.broadcast %mul3A_1084 : f32 to vector<16x256xf32>
    %mul3A_1086 = arith.mulf %slice3A_1083, %mul3A_1085 : vector<16x256xf32>
    %slice3A_1087 = vector.extract_strided_slice %dot_general3A_47 {offsets = [144, 0], sizes = [16, 256], strides = [1, 1]} : vector<384x256xf32> to vector<16x256xf32>
    %slice3A_1088 = vector.extract_strided_slice %dot_general3A_47 {offsets = [272, 0], sizes = [16, 256], strides = [1, 1]} : vector<384x256xf32> to vector<16x256xf32>
    %dot_general3A_1089 = arith.constant dense<0.000000e+00> : vector<256x256xf32>
    %dot_general3A_1090 = tpu.matmul %slice3A_1087, %mul3A_1086, %dot_general3A_1089 {dimension_numbers = #tpu.dot_dimension_numbers<[0], [0], [1], [1], [0, 1, 1, 1], [], []>, transpose_lhs_hint = false} : vector<16x256xf32>, vector<16x256xf32>, vector<256x256xf32> -> vector<256x256xf32>
    %exp3A_1091 = math.exp %dot_general3A_1090 : vector<256x256xf32>
    %mul3A_1092 = arith.mulf %exp3A_1091, %convert_element_type3A_114 : vector<256x256xf32>
    %dot_general3A_1093 = arith.constant dense<0.000000e+00> : vector<1x256xf32>
    %dot_general3A_1094 = tpu.matmul %broadcast_in_dim3A_115, %mul3A_1092, %dot_general3A_1093 {dimension_numbers = #tpu.dot_dimension_numbers<[1], [0], [0], [1], [0, 0, 1, 1], [], []>, transpose_lhs_hint = false} : vector<1x256xf32>, vector<256x256xf32>, vector<1x256xf32> -> vector<1x256xf32>
    %dot_general3A_1095 = arith.constant dense<0.000000e+00> : vector<16x256xf32>
    %dot_general3A_1096 = tpu.matmul %slice3A_1088, %mul3A_1092, %dot_general3A_1095 {dimension_numbers = #tpu.dot_dimension_numbers<[1], [0], [0], [1], [0, 0, 1, 1], [], []>, transpose_lhs_hint = false} : vector<16x256xf32>, vector<256x256xf32>, vector<16x256xf32> -> vector<16x256xf32>
    %div3A_1097 = vector.broadcast %dot_general3A_1094 : vector<1x256xf32> to vector<16x256xf32>
    %div3A_1098 = arith.divf %dot_general3A_1096, %div3A_1097 : vector<16x256xf32>
    %dot_general3A_1099 = arith.constant dense<0.000000e+00> : vector<16x32xf32>
    %dot_general3A_1100 = tpu.matmul %div3A_1098, %convert_element_type3A_233, %dot_general3A_1099 {dimension_numbers = #tpu.dot_dimension_numbers<[1], [0], [0], [1], [0, 0, 1, 1], [], []>, transpose_lhs_hint = false} : vector<16x256xf32>, vector<256x32xf32>, vector<16x32xf32> -> vector<16x32xf32>
    %dot_general3A_1101 = arith.constant dense<0.000000e+00> : vector<16x32xf32>
    %dot_general3A_1102 = tpu.matmul %div3A_1098, %convert_element_type3A_350, %dot_general3A_1101 {dimension_numbers = #tpu.dot_dimension_numbers<[1], [0], [0], [1], [0, 0, 1, 1], [], []>, transpose_lhs_hint = false} : vector<16x256xf32>, vector<256x32xf32>, vector<16x32xf32> -> vector<16x32xf32>
    %dot_general3A_1103 = arith.constant dense<0.000000e+00> : vector<16x32xf32>
    %dot_general3A_1104 = tpu.matmul %div3A_1098, %convert_element_type3A_467, %dot_general3A_1103 {dimension_numbers = #tpu.dot_dimension_numbers<[1], [0], [0], [1], [0, 0, 1, 1], [], []>, transpose_lhs_hint = false} : vector<16x256xf32>, vector<256x32xf32>, vector<16x32xf32> -> vector<16x32xf32>
    %dot_general3A_1105 = arith.constant dense<0.000000e+00> : vector<16x32xf32>
    %dot_general3A_1106 = tpu.matmul %div3A_1098, %convert_element_type3A_584, %dot_general3A_1105 {dimension_numbers = #tpu.dot_dimension_numbers<[1], [0], [0], [1], [0, 0, 1, 1], [], []>, transpose_lhs_hint = false} : vector<16x256xf32>, vector<256x32xf32>, vector<16x32xf32> -> vector<16x32xf32>
    %dot_general3A_1107 = arith.constant dense<0.000000e+00> : vector<16x32xf32>
    %dot_general3A_1108 = tpu.matmul %div3A_1098, %convert_element_type3A_701, %dot_general3A_1107 {dimension_numbers = #tpu.dot_dimension_numbers<[1], [0], [0], [1], [0, 0, 1, 1], [], []>, transpose_lhs_hint = false} : vector<16x256xf32>, vector<256x32xf32>, vector<16x32xf32> -> vector<16x32xf32>
    %dot_general3A_1109 = arith.constant dense<0.000000e+00> : vector<16x32xf32>
    %dot_general3A_1110 = tpu.matmul %div3A_1098, %convert_element_type3A_818, %dot_general3A_1109 {dimension_numbers = #tpu.dot_dimension_numbers<[1], [0], [0], [1], [0, 0, 1, 1], [], []>, transpose_lhs_hint = false} : vector<16x256xf32>, vector<256x32xf32>, vector<16x32xf32> -> vector<16x32xf32>
    %dot_general3A_1111 = arith.constant dense<0.000000e+00> : vector<16x32xf32>
    %dot_general3A_1112 = tpu.matmul %div3A_1098, %convert_element_type3A_935, %dot_general3A_1111 {dimension_numbers = #tpu.dot_dimension_numbers<[1], [0], [0], [1], [0, 0, 1, 1], [], []>, transpose_lhs_hint = false} : vector<16x256xf32>, vector<256x32xf32>, vector<16x32xf32> -> vector<16x32xf32>
    %dot_general3A_1113 = arith.constant dense<0.000000e+00> : vector<16x32xf32>
    %dot_general3A_1114 = tpu.matmul %div3A_1098, %convert_element_type3A_1052, %dot_general3A_1113 {dimension_numbers = #tpu.dot_dimension_numbers<[1], [0], [0], [1], [0, 0, 1, 1], [], []>, transpose_lhs_hint = false} : vector<16x256xf32>, vector<256x32xf32>, vector<16x32xf32> -> vector<16x32xf32>
    %concatenate3A_1115 = tpu.concatenate %dot_general3A_1100, %dot_general3A_1102, %dot_general3A_1104, %dot_general3A_1106, %dot_general3A_1108, %dot_general3A_1110, %dot_general3A_1112, %dot_general3A_1114 in 0 : vector<16x32xf32>, vector<16x32xf32>, vector<16x32xf32>, vector<16x32xf32>, vector<16x32xf32>, vector<16x32xf32>, vector<16x32xf32>, vector<16x32xf32> -> vector<128x32xf32>
    %slice3A_1116 = vector.extract_strided_slice %dot_general3A_47 {offsets = [32, 0], sizes = [16, 256], strides = [1, 1]} : vector<384x256xf32> to vector<16x256xf32>
    %mul3A_1117 = arith.constant 2.500000e-01 : f32
    %mul3A_1118 = vector.broadcast %mul3A_1117 : f32 to vector<16x256xf32>
    %mul3A_1119 = arith.mulf %slice3A_1116, %mul3A_1118 : vector<16x256xf32>
    %slice3A_1120 = vector.extract_strided_slice %dot_general3A_47 {offsets = [160, 0], sizes = [16, 256], strides = [1, 1]} : vector<384x256xf32> to vector<16x256xf32>
    %slice3A_1121 = vector.extract_strided_slice %dot_general3A_47 {offsets = [288, 0], sizes = [16, 256], strides = [1, 1]} : vector<384x256xf32> to vector<16x256xf32>
    %dot_general3A_1122 = arith.constant dense<0.000000e+00> : vector<256x256xf32>
    %dot_general3A_1123 = tpu.matmul %slice3A_1120, %mul3A_1119, %dot_general3A_1122 {dimension_numbers = #tpu.dot_dimension_numbers<[0], [0], [1], [1], [0, 1, 1, 1], [], []>, transpose_lhs_hint = false} : vector<16x256xf32>, vector<16x256xf32>, vector<256x256xf32> -> vector<256x256xf32>
    %exp3A_1124 = math.exp %dot_general3A_1123 : vector<256x256xf32>
    %mul3A_1125 = arith.mulf %exp3A_1124, %convert_element_type3A_114 : vector<256x256xf32>
    %dot_general3A_1126 = arith.constant dense<0.000000e+00> : vector<1x256xf32>
    %dot_general3A_1127 = tpu.matmul %broadcast_in_dim3A_115, %mul3A_1125, %dot_general3A_1126 {dimension_numbers = #tpu.dot_dimension_numbers<[1], [0], [0], [1], [0, 0, 1, 1], [], []>, transpose_lhs_hint = false} : vector<1x256xf32>, vector<256x256xf32>, vector<1x256xf32> -> vector<1x256xf32>
    %dot_general3A_1128 = arith.constant dense<0.000000e+00> : vector<16x256xf32>
    %dot_general3A_1129 = tpu.matmul %slice3A_1121, %mul3A_1125, %dot_general3A_1128 {dimension_numbers = #tpu.dot_dimension_numbers<[1], [0], [0], [1], [0, 0, 1, 1], [], []>, transpose_lhs_hint = false} : vector<16x256xf32>, vector<256x256xf32>, vector<16x256xf32> -> vector<16x256xf32>
    %div3A_1130 = vector.broadcast %dot_general3A_1127 : vector<1x256xf32> to vector<16x256xf32>
    %div3A_1131 = arith.divf %dot_general3A_1129, %div3A_1130 : vector<16x256xf32>
    %dot_general3A_1132 = arith.constant dense<0.000000e+00> : vector<16x32xf32>
    %dot_general3A_1133 = tpu.matmul %div3A_1131, %convert_element_type3A_233, %dot_general3A_1132 {dimension_numbers = #tpu.dot_dimension_numbers<[1], [0], [0], [1], [0, 0, 1, 1], [], []>, transpose_lhs_hint = false} : vector<16x256xf32>, vector<256x32xf32>, vector<16x32xf32> -> vector<16x32xf32>
    %dot_general3A_1134 = arith.constant dense<0.000000e+00> : vector<16x32xf32>
    %dot_general3A_1135 = tpu.matmul %div3A_1131, %convert_element_type3A_350, %dot_general3A_1134 {dimension_numbers = #tpu.dot_dimension_numbers<[1], [0], [0], [1], [0, 0, 1, 1], [], []>, transpose_lhs_hint = false} : vector<16x256xf32>, vector<256x32xf32>, vector<16x32xf32> -> vector<16x32xf32>
    %dot_general3A_1136 = arith.constant dense<0.000000e+00> : vector<16x32xf32>
    %dot_general3A_1137 = tpu.matmul %div3A_1131, %convert_element_type3A_467, %dot_general3A_1136 {dimension_numbers = #tpu.dot_dimension_numbers<[1], [0], [0], [1], [0, 0, 1, 1], [], []>, transpose_lhs_hint = false} : vector<16x256xf32>, vector<256x32xf32>, vector<16x32xf32> -> vector<16x32xf32>
    %dot_general3A_1138 = arith.constant dense<0.000000e+00> : vector<16x32xf32>
    %dot_general3A_1139 = tpu.matmul %div3A_1131, %convert_element_type3A_584, %dot_general3A_1138 {dimension_numbers = #tpu.dot_dimension_numbers<[1], [0], [0], [1], [0, 0, 1, 1], [], []>, transpose_lhs_hint = false} : vector<16x256xf32>, vector<256x32xf32>, vector<16x32xf32> -> vector<16x32xf32>
    %dot_general3A_1140 = arith.constant dense<0.000000e+00> : vector<16x32xf32>
    %dot_general3A_1141 = tpu.matmul %div3A_1131, %convert_element_type3A_701, %dot_general3A_1140 {dimension_numbers = #tpu.dot_dimension_numbers<[1], [0], [0], [1], [0, 0, 1, 1], [], []>, transpose_lhs_hint = false} : vector<16x256xf32>, vector<256x32xf32>, vector<16x32xf32> -> vector<16x32xf32>
    %dot_general3A_1142 = arith.constant dense<0.000000e+00> : vector<16x32xf32>
    %dot_general3A_1143 = tpu.matmul %div3A_1131, %convert_element_type3A_818, %dot_general3A_1142 {dimension_numbers = #tpu.dot_dimension_numbers<[1], [0], [0], [1], [0, 0, 1, 1], [], []>, transpose_lhs_hint = false} : vector<16x256xf32>, vector<256x32xf32>, vector<16x32xf32> -> vector<16x32xf32>
    %dot_general3A_1144 = arith.constant dense<0.000000e+00> : vector<16x32xf32>
    %dot_general3A_1145 = tpu.matmul %div3A_1131, %convert_element_type3A_935, %dot_general3A_1144 {dimension_numbers = #tpu.dot_dimension_numbers<[1], [0], [0], [1], [0, 0, 1, 1], [], []>, transpose_lhs_hint = false} : vector<16x256xf32>, vector<256x32xf32>, vector<16x32xf32> -> vector<16x32xf32>
    %dot_general3A_1146 = arith.constant dense<0.000000e+00> : vector<16x32xf32>
    %dot_general3A_1147 = tpu.matmul %div3A_1131, %convert_element_type3A_1052, %dot_general3A_1146 {dimension_numbers = #tpu.dot_dimension_numbers<[1], [0], [0], [1], [0, 0, 1, 1], [], []>, transpose_lhs_hint = false} : vector<16x256xf32>, vector<256x32xf32>, vector<16x32xf32> -> vector<16x32xf32>
    %concatenate3A_1148 = tpu.concatenate %dot_general3A_1133, %dot_general3A_1135, %dot_general3A_1137, %dot_general3A_1139, %dot_general3A_1141, %dot_general3A_1143, %dot_general3A_1145, %dot_general3A_1147 in 0 : vector<16x32xf32>, vector<16x32xf32>, vector<16x32xf32>, vector<16x32xf32>, vector<16x32xf32>, vector<16x32xf32>, vector<16x32xf32>, vector<16x32xf32> -> vector<128x32xf32>
    %slice3A_1149 = vector.extract_strided_slice %dot_general3A_47 {offsets = [48, 0], sizes = [16, 256], strides = [1, 1]} : vector<384x256xf32> to vector<16x256xf32>
    %mul3A_1150 = arith.constant 2.500000e-01 : f32
    %mul3A_1151 = vector.broadcast %mul3A_1150 : f32 to vector<16x256xf32>
    %mul3A_1152 = arith.mulf %slice3A_1149, %mul3A_1151 : vector<16x256xf32>
    %slice3A_1153 = vector.extract_strided_slice %dot_general3A_47 {offsets = [176, 0], sizes = [16, 256], strides = [1, 1]} : vector<384x256xf32> to vector<16x256xf32>
    %slice3A_1154 = vector.extract_strided_slice %dot_general3A_47 {offsets = [304, 0], sizes = [16, 256], strides = [1, 1]} : vector<384x256xf32> to vector<16x256xf32>
    %dot_general3A_1155 = arith.constant dense<0.000000e+00> : vector<256x256xf32>
    %dot_general3A_1156 = tpu.matmul %slice3A_1153, %mul3A_1152, %dot_general3A_1155 {dimension_numbers = #tpu.dot_dimension_numbers<[0], [0], [1], [1], [0, 1, 1, 1], [], []>, transpose_lhs_hint = false} : vector<16x256xf32>, vector<16x256xf32>, vector<256x256xf32> -> vector<256x256xf32>
    %exp3A_1157 = math.exp %dot_general3A_1156 : vector<256x256xf32>
    %mul3A_1158 = arith.mulf %exp3A_1157, %convert_element_type3A_114 : vector<256x256xf32>
    %dot_general3A_1159 = arith.constant dense<0.000000e+00> : vector<1x256xf32>
    %dot_general3A_1160 = tpu.matmul %broadcast_in_dim3A_115, %mul3A_1158, %dot_general3A_1159 {dimension_numbers = #tpu.dot_dimension_numbers<[1], [0], [0], [1], [0, 0, 1, 1], [], []>, transpose_lhs_hint = false} : vector<1x256xf32>, vector<256x256xf32>, vector<1x256xf32> -> vector<1x256xf32>
    %dot_general3A_1161 = arith.constant dense<0.000000e+00> : vector<16x256xf32>
    %dot_general3A_1162 = tpu.matmul %slice3A_1154, %mul3A_1158, %dot_general3A_1161 {dimension_numbers = #tpu.dot_dimension_numbers<[1], [0], [0], [1], [0, 0, 1, 1], [], []>, transpose_lhs_hint = false} : vector<16x256xf32>, vector<256x256xf32>, vector<16x256xf32> -> vector<16x256xf32>
    %div3A_1163 = vector.broadcast %dot_general3A_1160 : vector<1x256xf32> to vector<16x256xf32>
    %div3A_1164 = arith.divf %dot_general3A_1162, %div3A_1163 : vector<16x256xf32>
    %dot_general3A_1165 = arith.constant dense<0.000000e+00> : vector<16x32xf32>
    %dot_general3A_1166 = tpu.matmul %div3A_1164, %convert_element_type3A_233, %dot_general3A_1165 {dimension_numbers = #tpu.dot_dimension_numbers<[1], [0], [0], [1], [0, 0, 1, 1], [], []>, transpose_lhs_hint = false} : vector<16x256xf32>, vector<256x32xf32>, vector<16x32xf32> -> vector<16x32xf32>
    %dot_general3A_1167 = arith.constant dense<0.000000e+00> : vector<16x32xf32>
    %dot_general3A_1168 = tpu.matmul %div3A_1164, %convert_element_type3A_350, %dot_general3A_1167 {dimension_numbers = #tpu.dot_dimension_numbers<[1], [0], [0], [1], [0, 0, 1, 1], [], []>, transpose_lhs_hint = false} : vector<16x256xf32>, vector<256x32xf32>, vector<16x32xf32> -> vector<16x32xf32>
    %dot_general3A_1169 = arith.constant dense<0.000000e+00> : vector<16x32xf32>
    %dot_general3A_1170 = tpu.matmul %div3A_1164, %convert_element_type3A_467, %dot_general3A_1169 {dimension_numbers = #tpu.dot_dimension_numbers<[1], [0], [0], [1], [0, 0, 1, 1], [], []>, transpose_lhs_hint = false} : vector<16x256xf32>, vector<256x32xf32>, vector<16x32xf32> -> vector<16x32xf32>
    %dot_general3A_1171 = arith.constant dense<0.000000e+00> : vector<16x32xf32>
    %dot_general3A_1172 = tpu.matmul %div3A_1164, %convert_element_type3A_584, %dot_general3A_1171 {dimension_numbers = #tpu.dot_dimension_numbers<[1], [0], [0], [1], [0, 0, 1, 1], [], []>, transpose_lhs_hint = false} : vector<16x256xf32>, vector<256x32xf32>, vector<16x32xf32> -> vector<16x32xf32>
    %dot_general3A_1173 = arith.constant dense<0.000000e+00> : vector<16x32xf32>
    %dot_general3A_1174 = tpu.matmul %div3A_1164, %convert_element_type3A_701, %dot_general3A_1173 {dimension_numbers = #tpu.dot_dimension_numbers<[1], [0], [0], [1], [0, 0, 1, 1], [], []>, transpose_lhs_hint = false} : vector<16x256xf32>, vector<256x32xf32>, vector<16x32xf32> -> vector<16x32xf32>
    %dot_general3A_1175 = arith.constant dense<0.000000e+00> : vector<16x32xf32>
    %dot_general3A_1176 = tpu.matmul %div3A_1164, %convert_element_type3A_818, %dot_general3A_1175 {dimension_numbers = #tpu.dot_dimension_numbers<[1], [0], [0], [1], [0, 0, 1, 1], [], []>, transpose_lhs_hint = false} : vector<16x256xf32>, vector<256x32xf32>, vector<16x32xf32> -> vector<16x32xf32>
    %dot_general3A_1177 = arith.constant dense<0.000000e+00> : vector<16x32xf32>
    %dot_general3A_1178 = tpu.matmul %div3A_1164, %convert_element_type3A_935, %dot_general3A_1177 {dimension_numbers = #tpu.dot_dimension_numbers<[1], [0], [0], [1], [0, 0, 1, 1], [], []>, transpose_lhs_hint = false} : vector<16x256xf32>, vector<256x32xf32>, vector<16x32xf32> -> vector<16x32xf32>
    %dot_general3A_1179 = arith.constant dense<0.000000e+00> : vector<16x32xf32>
    %dot_general3A_1180 = tpu.matmul %div3A_1164, %convert_element_type3A_1052, %dot_general3A_1179 {dimension_numbers = #tpu.dot_dimension_numbers<[1], [0], [0], [1], [0, 0, 1, 1], [], []>, transpose_lhs_hint = false} : vector<16x256xf32>, vector<256x32xf32>, vector<16x32xf32> -> vector<16x32xf32>
    %concatenate3A_1181 = tpu.concatenate %dot_general3A_1166, %dot_general3A_1168, %dot_general3A_1170, %dot_general3A_1172, %dot_general3A_1174, %dot_general3A_1176, %dot_general3A_1178, %dot_general3A_1180 in 0 : vector<16x32xf32>, vector<16x32xf32>, vector<16x32xf32>, vector<16x32xf32>, vector<16x32xf32>, vector<16x32xf32>, vector<16x32xf32>, vector<16x32xf32> -> vector<128x32xf32>
    %slice3A_1182 = vector.extract_strided_slice %dot_general3A_47 {offsets = [64, 0], sizes = [16, 256], strides = [1, 1]} : vector<384x256xf32> to vector<16x256xf32>
    %mul3A_1183 = arith.constant 2.500000e-01 : f32
    %mul3A_1184 = vector.broadcast %mul3A_1183 : f32 to vector<16x256xf32>
    %mul3A_1185 = arith.mulf %slice3A_1182, %mul3A_1184 : vector<16x256xf32>
    %slice3A_1186 = vector.extract_strided_slice %dot_general3A_47 {offsets = [192, 0], sizes = [16, 256], strides = [1, 1]} : vector<384x256xf32> to vector<16x256xf32>
    %slice3A_1187 = vector.extract_strided_slice %dot_general3A_47 {offsets = [320, 0], sizes = [16, 256], strides = [1, 1]} : vector<384x256xf32> to vector<16x256xf32>
    %dot_general3A_1188 = arith.constant dense<0.000000e+00> : vector<256x256xf32>
    %dot_general3A_1189 = tpu.matmul %slice3A_1186, %mul3A_1185, %dot_general3A_1188 {dimension_numbers = #tpu.dot_dimension_numbers<[0], [0], [1], [1], [0, 1, 1, 1], [], []>, transpose_lhs_hint = false} : vector<16x256xf32>, vector<16x256xf32>, vector<256x256xf32> -> vector<256x256xf32>
    %exp3A_1190 = math.exp %dot_general3A_1189 : vector<256x256xf32>
    %mul3A_1191 = arith.mulf %exp3A_1190, %convert_element_type3A_114 : vector<256x256xf32>
    %dot_general3A_1192 = arith.constant dense<0.000000e+00> : vector<1x256xf32>
    %dot_general3A_1193 = tpu.matmul %broadcast_in_dim3A_115, %mul3A_1191, %dot_general3A_1192 {dimension_numbers = #tpu.dot_dimension_numbers<[1], [0], [0], [1], [0, 0, 1, 1], [], []>, transpose_lhs_hint = false} : vector<1x256xf32>, vector<256x256xf32>, vector<1x256xf32> -> vector<1x256xf32>
    %dot_general3A_1194 = arith.constant dense<0.000000e+00> : vector<16x256xf32>
    %dot_general3A_1195 = tpu.matmul %slice3A_1187, %mul3A_1191, %dot_general3A_1194 {dimension_numbers = #tpu.dot_dimension_numbers<[1], [0], [0], [1], [0, 0, 1, 1], [], []>, transpose_lhs_hint = false} : vector<16x256xf32>, vector<256x256xf32>, vector<16x256xf32> -> vector<16x256xf32>
    %div3A_1196 = vector.broadcast %dot_general3A_1193 : vector<1x256xf32> to vector<16x256xf32>
    %div3A_1197 = arith.divf %dot_general3A_1195, %div3A_1196 : vector<16x256xf32>
    %dot_general3A_1198 = arith.constant dense<0.000000e+00> : vector<16x32xf32>
    %dot_general3A_1199 = tpu.matmul %div3A_1197, %convert_element_type3A_233, %dot_general3A_1198 {dimension_numbers = #tpu.dot_dimension_numbers<[1], [0], [0], [1], [0, 0, 1, 1], [], []>, transpose_lhs_hint = false} : vector<16x256xf32>, vector<256x32xf32>, vector<16x32xf32> -> vector<16x32xf32>
    %dot_general3A_1200 = arith.constant dense<0.000000e+00> : vector<16x32xf32>
    %dot_general3A_1201 = tpu.matmul %div3A_1197, %convert_element_type3A_350, %dot_general3A_1200 {dimension_numbers = #tpu.dot_dimension_numbers<[1], [0], [0], [1], [0, 0, 1, 1], [], []>, transpose_lhs_hint = false} : vector<16x256xf32>, vector<256x32xf32>, vector<16x32xf32> -> vector<16x32xf32>
    %dot_general3A_1202 = arith.constant dense<0.000000e+00> : vector<16x32xf32>
    %dot_general3A_1203 = tpu.matmul %div3A_1197, %convert_element_type3A_467, %dot_general3A_1202 {dimension_numbers = #tpu.dot_dimension_numbers<[1], [0], [0], [1], [0, 0, 1, 1], [], []>, transpose_lhs_hint = false} : vector<16x256xf32>, vector<256x32xf32>, vector<16x32xf32> -> vector<16x32xf32>
    %dot_general3A_1204 = arith.constant dense<0.000000e+00> : vector<16x32xf32>
    %dot_general3A_1205 = tpu.matmul %div3A_1197, %convert_element_type3A_584, %dot_general3A_1204 {dimension_numbers = #tpu.dot_dimension_numbers<[1], [0], [0], [1], [0, 0, 1, 1], [], []>, transpose_lhs_hint = false} : vector<16x256xf32>, vector<256x32xf32>, vector<16x32xf32> -> vector<16x32xf32>
    %dot_general3A_1206 = arith.constant dense<0.000000e+00> : vector<16x32xf32>
    %dot_general3A_1207 = tpu.matmul %div3A_1197, %convert_element_type3A_701, %dot_general3A_1206 {dimension_numbers = #tpu.dot_dimension_numbers<[1], [0], [0], [1], [0, 0, 1, 1], [], []>, transpose_lhs_hint = false} : vector<16x256xf32>, vector<256x32xf32>, vector<16x32xf32> -> vector<16x32xf32>
    %dot_general3A_1208 = arith.constant dense<0.000000e+00> : vector<16x32xf32>
    %dot_general3A_1209 = tpu.matmul %div3A_1197, %convert_element_type3A_818, %dot_general3A_1208 {dimension_numbers = #tpu.dot_dimension_numbers<[1], [0], [0], [1], [0, 0, 1, 1], [], []>, transpose_lhs_hint = false} : vector<16x256xf32>, vector<256x32xf32>, vector<16x32xf32> -> vector<16x32xf32>
    %dot_general3A_1210 = arith.constant dense<0.000000e+00> : vector<16x32xf32>
    %dot_general3A_1211 = tpu.matmul %div3A_1197, %convert_element_type3A_935, %dot_general3A_1210 {dimension_numbers = #tpu.dot_dimension_numbers<[1], [0], [0], [1], [0, 0, 1, 1], [], []>, transpose_lhs_hint = false} : vector<16x256xf32>, vector<256x32xf32>, vector<16x32xf32> -> vector<16x32xf32>
    %dot_general3A_1212 = arith.constant dense<0.000000e+00> : vector<16x32xf32>
    %dot_general3A_1213 = tpu.matmul %div3A_1197, %convert_element_type3A_1052, %dot_general3A_1212 {dimension_numbers = #tpu.dot_dimension_numbers<[1], [0], [0], [1], [0, 0, 1, 1], [], []>, transpose_lhs_hint = false} : vector<16x256xf32>, vector<256x32xf32>, vector<16x32xf32> -> vector<16x32xf32>
    %concatenate3A_1214 = tpu.concatenate %dot_general3A_1199, %dot_general3A_1201, %dot_general3A_1203, %dot_general3A_1205, %dot_general3A_1207, %dot_general3A_1209, %dot_general3A_1211, %dot_general3A_1213 in 0 : vector<16x32xf32>, vector<16x32xf32>, vector<16x32xf32>, vector<16x32xf32>, vector<16x32xf32>, vector<16x32xf32>, vector<16x32xf32>, vector<16x32xf32> -> vector<128x32xf32>
    %slice3A_1215 = vector.extract_strided_slice %dot_general3A_47 {offsets = [80, 0], sizes = [16, 256], strides = [1, 1]} : vector<384x256xf32> to vector<16x256xf32>
    %mul3A_1216 = arith.constant 2.500000e-01 : f32
    %mul3A_1217 = vector.broadcast %mul3A_1216 : f32 to vector<16x256xf32>
    %mul3A_1218 = arith.mulf %slice3A_1215, %mul3A_1217 : vector<16x256xf32>
    %slice3A_1219 = vector.extract_strided_slice %dot_general3A_47 {offsets = [208, 0], sizes = [16, 256], strides = [1, 1]} : vector<384x256xf32> to vector<16x256xf32>
    %slice3A_1220 = vector.extract_strided_slice %dot_general3A_47 {offsets = [336, 0], sizes = [16, 256], strides = [1, 1]} : vector<384x256xf32> to vector<16x256xf32>
    %dot_general3A_1221 = arith.constant dense<0.000000e+00> : vector<256x256xf32>
    %dot_general3A_1222 = tpu.matmul %slice3A_1219, %mul3A_1218, %dot_general3A_1221 {dimension_numbers = #tpu.dot_dimension_numbers<[0], [0], [1], [1], [0, 1, 1, 1], [], []>, transpose_lhs_hint = false} : vector<16x256xf32>, vector<16x256xf32>, vector<256x256xf32> -> vector<256x256xf32>
    %exp3A_1223 = math.exp %dot_general3A_1222 : vector<256x256xf32>
    %mul3A_1224 = arith.mulf %exp3A_1223, %convert_element_type3A_114 : vector<256x256xf32>
    %dot_general3A_1225 = arith.constant dense<0.000000e+00> : vector<1x256xf32>
    %dot_general3A_1226 = tpu.matmul %broadcast_in_dim3A_115, %mul3A_1224, %dot_general3A_1225 {dimension_numbers = #tpu.dot_dimension_numbers<[1], [0], [0], [1], [0, 0, 1, 1], [], []>, transpose_lhs_hint = false} : vector<1x256xf32>, vector<256x256xf32>, vector<1x256xf32> -> vector<1x256xf32>
    %dot_general3A_1227 = arith.constant dense<0.000000e+00> : vector<16x256xf32>
    %dot_general3A_1228 = tpu.matmul %slice3A_1220, %mul3A_1224, %dot_general3A_1227 {dimension_numbers = #tpu.dot_dimension_numbers<[1], [0], [0], [1], [0, 0, 1, 1], [], []>, transpose_lhs_hint = false} : vector<16x256xf32>, vector<256x256xf32>, vector<16x256xf32> -> vector<16x256xf32>
    %div3A_1229 = vector.broadcast %dot_general3A_1226 : vector<1x256xf32> to vector<16x256xf32>
    %div3A_1230 = arith.divf %dot_general3A_1228, %div3A_1229 : vector<16x256xf32>
    %dot_general3A_1231 = arith.constant dense<0.000000e+00> : vector<16x32xf32>
    %dot_general3A_1232 = tpu.matmul %div3A_1230, %convert_element_type3A_233, %dot_general3A_1231 {dimension_numbers = #tpu.dot_dimension_numbers<[1], [0], [0], [1], [0, 0, 1, 1], [], []>, transpose_lhs_hint = false} : vector<16x256xf32>, vector<256x32xf32>, vector<16x32xf32> -> vector<16x32xf32>
    %dot_general3A_1233 = arith.constant dense<0.000000e+00> : vector<16x32xf32>
    %dot_general3A_1234 = tpu.matmul %div3A_1230, %convert_element_type3A_350, %dot_general3A_1233 {dimension_numbers = #tpu.dot_dimension_numbers<[1], [0], [0], [1], [0, 0, 1, 1], [], []>, transpose_lhs_hint = false} : vector<16x256xf32>, vector<256x32xf32>, vector<16x32xf32> -> vector<16x32xf32>
    %dot_general3A_1235 = arith.constant dense<0.000000e+00> : vector<16x32xf32>
    %dot_general3A_1236 = tpu.matmul %div3A_1230, %convert_element_type3A_467, %dot_general3A_1235 {dimension_numbers = #tpu.dot_dimension_numbers<[1], [0], [0], [1], [0, 0, 1, 1], [], []>, transpose_lhs_hint = false} : vector<16x256xf32>, vector<256x32xf32>, vector<16x32xf32> -> vector<16x32xf32>
    %dot_general3A_1237 = arith.constant dense<0.000000e+00> : vector<16x32xf32>
    %dot_general3A_1238 = tpu.matmul %div3A_1230, %convert_element_type3A_584, %dot_general3A_1237 {dimension_numbers = #tpu.dot_dimension_numbers<[1], [0], [0], [1], [0, 0, 1, 1], [], []>, transpose_lhs_hint = false} : vector<16x256xf32>, vector<256x32xf32>, vector<16x32xf32> -> vector<16x32xf32>
    %dot_general3A_1239 = arith.constant dense<0.000000e+00> : vector<16x32xf32>
    %dot_general3A_1240 = tpu.matmul %div3A_1230, %convert_element_type3A_701, %dot_general3A_1239 {dimension_numbers = #tpu.dot_dimension_numbers<[1], [0], [0], [1], [0, 0, 1, 1], [], []>, transpose_lhs_hint = false} : vector<16x256xf32>, vector<256x32xf32>, vector<16x32xf32> -> vector<16x32xf32>
    %dot_general3A_1241 = arith.constant dense<0.000000e+00> : vector<16x32xf32>
    %dot_general3A_1242 = tpu.matmul %div3A_1230, %convert_element_type3A_818, %dot_general3A_1241 {dimension_numbers = #tpu.dot_dimension_numbers<[1], [0], [0], [1], [0, 0, 1, 1], [], []>, transpose_lhs_hint = false} : vector<16x256xf32>, vector<256x32xf32>, vector<16x32xf32> -> vector<16x32xf32>
    %dot_general3A_1243 = arith.constant dense<0.000000e+00> : vector<16x32xf32>
    %dot_general3A_1244 = tpu.matmul %div3A_1230, %convert_element_type3A_935, %dot_general3A_1243 {dimension_numbers = #tpu.dot_dimension_numbers<[1], [0], [0], [1], [0, 0, 1, 1], [], []>, transpose_lhs_hint = false} : vector<16x256xf32>, vector<256x32xf32>, vector<16x32xf32> -> vector<16x32xf32>
    %dot_general3A_1245 = arith.constant dense<0.000000e+00> : vector<16x32xf32>
    %dot_general3A_1246 = tpu.matmul %div3A_1230, %convert_element_type3A_1052, %dot_general3A_1245 {dimension_numbers = #tpu.dot_dimension_numbers<[1], [0], [0], [1], [0, 0, 1, 1], [], []>, transpose_lhs_hint = false} : vector<16x256xf32>, vector<256x32xf32>, vector<16x32xf32> -> vector<16x32xf32>
    %concatenate3A_1247 = tpu.concatenate %dot_general3A_1232, %dot_general3A_1234, %dot_general3A_1236, %dot_general3A_1238, %dot_general3A_1240, %dot_general3A_1242, %dot_general3A_1244, %dot_general3A_1246 in 0 : vector<16x32xf32>, vector<16x32xf32>, vector<16x32xf32>, vector<16x32xf32>, vector<16x32xf32>, vector<16x32xf32>, vector<16x32xf32>, vector<16x32xf32> -> vector<128x32xf32>
    %slice3A_1248 = vector.extract_strided_slice %dot_general3A_47 {offsets = [96, 0], sizes = [16, 256], strides = [1, 1]} : vector<384x256xf32> to vector<16x256xf32>
    %mul3A_1249 = arith.constant 2.500000e-01 : f32
    %mul3A_1250 = vector.broadcast %mul3A_1249 : f32 to vector<16x256xf32>
    %mul3A_1251 = arith.mulf %slice3A_1248, %mul3A_1250 : vector<16x256xf32>
    %slice3A_1252 = vector.extract_strided_slice %dot_general3A_47 {offsets = [224, 0], sizes = [16, 256], strides = [1, 1]} : vector<384x256xf32> to vector<16x256xf32>
    %slice3A_1253 = vector.extract_strided_slice %dot_general3A_47 {offsets = [352, 0], sizes = [16, 256], strides = [1, 1]} : vector<384x256xf32> to vector<16x256xf32>
    %dot_general3A_1254 = arith.constant dense<0.000000e+00> : vector<256x256xf32>
    %dot_general3A_1255 = tpu.matmul %slice3A_1252, %mul3A_1251, %dot_general3A_1254 {dimension_numbers = #tpu.dot_dimension_numbers<[0], [0], [1], [1], [0, 1, 1, 1], [], []>, transpose_lhs_hint = false} : vector<16x256xf32>, vector<16x256xf32>, vector<256x256xf32> -> vector<256x256xf32>
    %exp3A_1256 = math.exp %dot_general3A_1255 : vector<256x256xf32>
    %mul3A_1257 = arith.mulf %exp3A_1256, %convert_element_type3A_114 : vector<256x256xf32>
    %dot_general3A_1258 = arith.constant dense<0.000000e+00> : vector<1x256xf32>
    %dot_general3A_1259 = tpu.matmul %broadcast_in_dim3A_115, %mul3A_1257, %dot_general3A_1258 {dimension_numbers = #tpu.dot_dimension_numbers<[1], [0], [0], [1], [0, 0, 1, 1], [], []>, transpose_lhs_hint = false} : vector<1x256xf32>, vector<256x256xf32>, vector<1x256xf32> -> vector<1x256xf32>
    %dot_general3A_1260 = arith.constant dense<0.000000e+00> : vector<16x256xf32>
    %dot_general3A_1261 = tpu.matmul %slice3A_1253, %mul3A_1257, %dot_general3A_1260 {dimension_numbers = #tpu.dot_dimension_numbers<[1], [0], [0], [1], [0, 0, 1, 1], [], []>, transpose_lhs_hint = false} : vector<16x256xf32>, vector<256x256xf32>, vector<16x256xf32> -> vector<16x256xf32>
    %div3A_1262 = vector.broadcast %dot_general3A_1259 : vector<1x256xf32> to vector<16x256xf32>
    %div3A_1263 = arith.divf %dot_general3A_1261, %div3A_1262 : vector<16x256xf32>
    %dot_general3A_1264 = arith.constant dense<0.000000e+00> : vector<16x32xf32>
    %dot_general3A_1265 = tpu.matmul %div3A_1263, %convert_element_type3A_233, %dot_general3A_1264 {dimension_numbers = #tpu.dot_dimension_numbers<[1], [0], [0], [1], [0, 0, 1, 1], [], []>, transpose_lhs_hint = false} : vector<16x256xf32>, vector<256x32xf32>, vector<16x32xf32> -> vector<16x32xf32>
    %dot_general3A_1266 = arith.constant dense<0.000000e+00> : vector<16x32xf32>
    %dot_general3A_1267 = tpu.matmul %div3A_1263, %convert_element_type3A_350, %dot_general3A_1266 {dimension_numbers = #tpu.dot_dimension_numbers<[1], [0], [0], [1], [0, 0, 1, 1], [], []>, transpose_lhs_hint = false} : vector<16x256xf32>, vector<256x32xf32>, vector<16x32xf32> -> vector<16x32xf32>
    %dot_general3A_1268 = arith.constant dense<0.000000e+00> : vector<16x32xf32>
    %dot_general3A_1269 = tpu.matmul %div3A_1263, %convert_element_type3A_467, %dot_general3A_1268 {dimension_numbers = #tpu.dot_dimension_numbers<[1], [0], [0], [1], [0, 0, 1, 1], [], []>, transpose_lhs_hint = false} : vector<16x256xf32>, vector<256x32xf32>, vector<16x32xf32> -> vector<16x32xf32>
    %dot_general3A_1270 = arith.constant dense<0.000000e+00> : vector<16x32xf32>
    %dot_general3A_1271 = tpu.matmul %div3A_1263, %convert_element_type3A_584, %dot_general3A_1270 {dimension_numbers = #tpu.dot_dimension_numbers<[1], [0], [0], [1], [0, 0, 1, 1], [], []>, transpose_lhs_hint = false} : vector<16x256xf32>, vector<256x32xf32>, vector<16x32xf32> -> vector<16x32xf32>
    %dot_general3A_1272 = arith.constant dense<0.000000e+00> : vector<16x32xf32>
    %dot_general3A_1273 = tpu.matmul %div3A_1263, %convert_element_type3A_701, %dot_general3A_1272 {dimension_numbers = #tpu.dot_dimension_numbers<[1], [0], [0], [1], [0, 0, 1, 1], [], []>, transpose_lhs_hint = false} : vector<16x256xf32>, vector<256x32xf32>, vector<16x32xf32> -> vector<16x32xf32>
    %dot_general3A_1274 = arith.constant dense<0.000000e+00> : vector<16x32xf32>
    %dot_general3A_1275 = tpu.matmul %div3A_1263, %convert_element_type3A_818, %dot_general3A_1274 {dimension_numbers = #tpu.dot_dimension_numbers<[1], [0], [0], [1], [0, 0, 1, 1], [], []>, transpose_lhs_hint = false} : vector<16x256xf32>, vector<256x32xf32>, vector<16x32xf32> -> vector<16x32xf32>
    %dot_general3A_1276 = arith.constant dense<0.000000e+00> : vector<16x32xf32>
    %dot_general3A_1277 = tpu.matmul %div3A_1263, %convert_element_type3A_935, %dot_general3A_1276 {dimension_numbers = #tpu.dot_dimension_numbers<[1], [0], [0], [1], [0, 0, 1, 1], [], []>, transpose_lhs_hint = false} : vector<16x256xf32>, vector<256x32xf32>, vector<16x32xf32> -> vector<16x32xf32>
    %dot_general3A_1278 = arith.constant dense<0.000000e+00> : vector<16x32xf32>
    %dot_general3A_1279 = tpu.matmul %div3A_1263, %convert_element_type3A_1052, %dot_general3A_1278 {dimension_numbers = #tpu.dot_dimension_numbers<[1], [0], [0], [1], [0, 0, 1, 1], [], []>, transpose_lhs_hint = false} : vector<16x256xf32>, vector<256x32xf32>, vector<16x32xf32> -> vector<16x32xf32>
    %concatenate3A_1280 = tpu.concatenate %dot_general3A_1265, %dot_general3A_1267, %dot_general3A_1269, %dot_general3A_1271, %dot_general3A_1273, %dot_general3A_1275, %dot_general3A_1277, %dot_general3A_1279 in 0 : vector<16x32xf32>, vector<16x32xf32>, vector<16x32xf32>, vector<16x32xf32>, vector<16x32xf32>, vector<16x32xf32>, vector<16x32xf32>, vector<16x32xf32> -> vector<128x32xf32>
    %slice3A_1281 = vector.extract_strided_slice %dot_general3A_47 {offsets = [112, 0], sizes = [16, 256], strides = [1, 1]} : vector<384x256xf32> to vector<16x256xf32>
    %mul3A_1282 = arith.constant 2.500000e-01 : f32
    %mul3A_1283 = vector.broadcast %mul3A_1282 : f32 to vector<16x256xf32>
    %mul3A_1284 = arith.mulf %slice3A_1281, %mul3A_1283 : vector<16x256xf32>
    %slice3A_1285 = vector.extract_strided_slice %dot_general3A_47 {offsets = [240, 0], sizes = [16, 256], strides = [1, 1]} : vector<384x256xf32> to vector<16x256xf32>
    %slice3A_1286 = vector.extract_strided_slice %dot_general3A_47 {offsets = [368, 0], sizes = [16, 256], strides = [1, 1]} : vector<384x256xf32> to vector<16x256xf32>
    %dot_general3A_1287 = arith.constant dense<0.000000e+00> : vector<256x256xf32>
    %dot_general3A_1288 = tpu.matmul %slice3A_1285, %mul3A_1284, %dot_general3A_1287 {dimension_numbers = #tpu.dot_dimension_numbers<[0], [0], [1], [1], [0, 1, 1, 1], [], []>, transpose_lhs_hint = false} : vector<16x256xf32>, vector<16x256xf32>, vector<256x256xf32> -> vector<256x256xf32>
    %exp3A_1289 = math.exp %dot_general3A_1288 : vector<256x256xf32>
    %mul3A_1290 = arith.mulf %exp3A_1289, %convert_element_type3A_114 : vector<256x256xf32>
    %dot_general3A_1291 = arith.constant dense<0.000000e+00> : vector<1x256xf32>
    %dot_general3A_1292 = tpu.matmul %broadcast_in_dim3A_115, %mul3A_1290, %dot_general3A_1291 {dimension_numbers = #tpu.dot_dimension_numbers<[1], [0], [0], [1], [0, 0, 1, 1], [], []>, transpose_lhs_hint = false} : vector<1x256xf32>, vector<256x256xf32>, vector<1x256xf32> -> vector<1x256xf32>
    %dot_general3A_1293 = arith.constant dense<0.000000e+00> : vector<16x256xf32>
    %dot_general3A_1294 = tpu.matmul %slice3A_1286, %mul3A_1290, %dot_general3A_1293 {dimension_numbers = #tpu.dot_dimension_numbers<[1], [0], [0], [1], [0, 0, 1, 1], [], []>, transpose_lhs_hint = false} : vector<16x256xf32>, vector<256x256xf32>, vector<16x256xf32> -> vector<16x256xf32>
    %div3A_1295 = vector.broadcast %dot_general3A_1292 : vector<1x256xf32> to vector<16x256xf32>
    %div3A_1296 = arith.divf %dot_general3A_1294, %div3A_1295 : vector<16x256xf32>
    %dot_general3A_1297 = arith.constant dense<0.000000e+00> : vector<16x32xf32>
    %dot_general3A_1298 = tpu.matmul %div3A_1296, %convert_element_type3A_233, %dot_general3A_1297 {dimension_numbers = #tpu.dot_dimension_numbers<[1], [0], [0], [1], [0, 0, 1, 1], [], []>, transpose_lhs_hint = false} : vector<16x256xf32>, vector<256x32xf32>, vector<16x32xf32> -> vector<16x32xf32>
    %dot_general3A_1299 = arith.constant dense<0.000000e+00> : vector<16x32xf32>
    %dot_general3A_1300 = tpu.matmul %div3A_1296, %convert_element_type3A_350, %dot_general3A_1299 {dimension_numbers = #tpu.dot_dimension_numbers<[1], [0], [0], [1], [0, 0, 1, 1], [], []>, transpose_lhs_hint = false} : vector<16x256xf32>, vector<256x32xf32>, vector<16x32xf32> -> vector<16x32xf32>
    %dot_general3A_1301 = arith.constant dense<0.000000e+00> : vector<16x32xf32>
    %dot_general3A_1302 = tpu.matmul %div3A_1296, %convert_element_type3A_467, %dot_general3A_1301 {dimension_numbers = #tpu.dot_dimension_numbers<[1], [0], [0], [1], [0, 0, 1, 1], [], []>, transpose_lhs_hint = false} : vector<16x256xf32>, vector<256x32xf32>, vector<16x32xf32> -> vector<16x32xf32>
    %dot_general3A_1303 = arith.constant dense<0.000000e+00> : vector<16x32xf32>
    %dot_general3A_1304 = tpu.matmul %div3A_1296, %convert_element_type3A_584, %dot_general3A_1303 {dimension_numbers = #tpu.dot_dimension_numbers<[1], [0], [0], [1], [0, 0, 1, 1], [], []>, transpose_lhs_hint = false} : vector<16x256xf32>, vector<256x32xf32>, vector<16x32xf32> -> vector<16x32xf32>
    %dot_general3A_1305 = arith.constant dense<0.000000e+00> : vector<16x32xf32>
    %dot_general3A_1306 = tpu.matmul %div3A_1296, %convert_element_type3A_701, %dot_general3A_1305 {dimension_numbers = #tpu.dot_dimension_numbers<[1], [0], [0], [1], [0, 0, 1, 1], [], []>, transpose_lhs_hint = false} : vector<16x256xf32>, vector<256x32xf32>, vector<16x32xf32> -> vector<16x32xf32>
    %dot_general3A_1307 = arith.constant dense<0.000000e+00> : vector<16x32xf32>
    %dot_general3A_1308 = tpu.matmul %div3A_1296, %convert_element_type3A_818, %dot_general3A_1307 {dimension_numbers = #tpu.dot_dimension_numbers<[1], [0], [0], [1], [0, 0, 1, 1], [], []>, transpose_lhs_hint = false} : vector<16x256xf32>, vector<256x32xf32>, vector<16x32xf32> -> vector<16x32xf32>
    %dot_general3A_1309 = arith.constant dense<0.000000e+00> : vector<16x32xf32>
    %dot_general3A_1310 = tpu.matmul %div3A_1296, %convert_element_type3A_935, %dot_general3A_1309 {dimension_numbers = #tpu.dot_dimension_numbers<[1], [0], [0], [1], [0, 0, 1, 1], [], []>, transpose_lhs_hint = false} : vector<16x256xf32>, vector<256x32xf32>, vector<16x32xf32> -> vector<16x32xf32>
    %dot_general3A_1311 = arith.constant dense<0.000000e+00> : vector<16x32xf32>
    %dot_general3A_1312 = tpu.matmul %div3A_1296, %convert_element_type3A_1052, %dot_general3A_1311 {dimension_numbers = #tpu.dot_dimension_numbers<[1], [0], [0], [1], [0, 0, 1, 1], [], []>, transpose_lhs_hint = false} : vector<16x256xf32>, vector<256x32xf32>, vector<16x32xf32> -> vector<16x32xf32>
    %concatenate3A_1313 = tpu.concatenate %dot_general3A_1298, %dot_general3A_1300, %dot_general3A_1302, %dot_general3A_1304, %dot_general3A_1306, %dot_general3A_1308, %dot_general3A_1310, %dot_general3A_1312 in 0 : vector<16x32xf32>, vector<16x32xf32>, vector<16x32xf32>, vector<16x32xf32>, vector<16x32xf32>, vector<16x32xf32>, vector<16x32xf32>, vector<16x32xf32> -> vector<128x32xf32>
    %concatenate3A_1314 = tpu.concatenate %concatenate3A, %concatenate3A_1115, %concatenate3A_1148, %concatenate3A_1181, %concatenate3A_1214, %concatenate3A_1247, %concatenate3A_1280, %concatenate3A_1313 in 1 : vector<128x32xf32>, vector<128x32xf32>, vector<128x32xf32>, vector<128x32xf32>, vector<128x32xf32>, vector<128x32xf32>, vector<128x32xf32>, vector<128x32xf32> -> vector<128x256xf32>
    %iota3A_1315 = tpu.iota {dimensions = array<i32: 0>} : vector<256x256xi32>
    %iota3A_1316 = tpu.iota {dimensions = array<i32: 1>} : vector<256x256xi32>
    %jit3A_1317 = arith.constant 32 : i32
    %div3A_1318 = vector.broadcast %jit3A_1317 : i32 to vector<256x256xi32>
    %div3A_1319 = arith.divsi %iota3A_1315, %div3A_1318 : vector<256x256xi32>
    %sign3A_1320 = arith.constant 0 : i32
    %sign3A_1321 = vector.broadcast %sign3A_1320 : i32 to vector<256x256xi32>
    %sign3A_1322 = arith.cmpi sgt, %iota3A_1315, %sign3A_1321 : vector<256x256xi32>
    %sign3A_1323 = arith.extui %sign3A_1322 : vector<256x256xi1> to vector<256x256xi32>
    %sign3A_1324 = arith.constant 0 : i32
    %sign3A_1325 = vector.broadcast %sign3A_1324 : i32 to vector<256x256xi32>
    %sign3A_1326 = arith.cmpi slt, %iota3A_1315, %sign3A_1325 : vector<256x256xi32>
    %sign3A_1327 = arith.extui %sign3A_1326 : vector<256x256xi1> to vector<256x256xi32>
    %sign3A_1328 = arith.subi %sign3A_1323, %sign3A_1327 : vector<256x256xi32>
    %sign3A_1329 = arith.constant 0 : i32
    %sign3A_1330 = arith.cmpi sgt, %jit3A_1317, %sign3A_1329 : i32
    %sign3A_1331 = arith.extui %sign3A_1330 : i1 to i32
    %sign3A_1332 = arith.constant 0 : i32
    %sign3A_1333 = arith.cmpi slt, %jit3A_1317, %sign3A_1332 : i32
    %sign3A_1334 = arith.extui %sign3A_1333 : i1 to i32
    %sign3A_1335 = arith.subi %sign3A_1331, %sign3A_1334 : i32
    %ne3A_1336 = vector.broadcast %sign3A_1335 : i32 to vector<256x256xi32>
    %ne3A_1337 = arith.cmpi ne, %sign3A_1328, %ne3A_1336 : vector<256x256xi32>
    %rem3A_1338 = vector.broadcast %jit3A_1317 : i32 to vector<256x256xi32>
    %rem3A_1339 = arith.remsi %iota3A_1315, %rem3A_1338 : vector<256x256xi32>
    %ne3A_1340 = arith.constant 0 : i32
    %ne3A_1341 = vector.broadcast %ne3A_1340 : i32 to vector<256x256xi32>
    %ne3A_1342 = arith.cmpi ne, %rem3A_1339, %ne3A_1341 : vector<256x256xi32>
    %and3A_1343 = arith.andi %ne3A_1337, %ne3A_1342 : vector<256x256xi1>
    %sub3A_1344 = arith.constant 1 : i32
    %sub3A_1345 = vector.broadcast %sub3A_1344 : i32 to vector<256x256xi32>
    %sub3A_1346 = arith.subi %div3A_1319, %sub3A_1345 : vector<256x256xi32>
    %select_n3A_1347 = arith.select %and3A_1343, %sub3A_1346, %div3A_1319 : vector<256x256xi1>, vector<256x256xi32>
    %jit3A_1348 = arith.constant 16 : i32
    %eq3A_1349 = arith.constant 0 : i32
    %eq3A_1350 = arith.cmpi eq, %jit3A_1348, %eq3A_1349 : i32
    %jit3A_1351 = arith.constant 1 : i32
    %select_n3A_1352 = arith.select %eq3A_1350, %jit3A_1351, %jit3A_1348 : i32
    %rem3A_1353 = vector.broadcast %select_n3A_1352 : i32 to vector<256x256xi32>
    %rem3A_1354 = arith.remsi %iota3A_1316, %rem3A_1353 : vector<256x256xi32>
    %ne3A_1355 = arith.constant 0 : i32
    %ne3A_1356 = vector.broadcast %ne3A_1355 : i32 to vector<256x256xi32>
    %ne3A_1357 = arith.cmpi ne, %rem3A_1354, %ne3A_1356 : vector<256x256xi32>
    %lt3A_1358 = arith.constant 0 : i32
    %lt3A_1359 = vector.broadcast %lt3A_1358 : i32 to vector<256x256xi32>
    %lt3A_1360 = arith.cmpi slt, %rem3A_1354, %lt3A_1359 : vector<256x256xi32>
    %lt3A_1361 = arith.constant 0 : i32
    %lt3A_1362 = arith.cmpi slt, %select_n3A_1352, %lt3A_1361 : i32
    %ne3A_1363 = vector.broadcast %lt3A_1362 : i1 to vector<256x256xi1>
    %ne3A_1364 = vector.broadcast %ne3A_1363 : vector<256x256xi1> to vector<256x256xi1>
    %ne3A_1365 = arith.xori %lt3A_1360, %ne3A_1364 : vector<256x256xi1>
    %and3A_1366 = arith.andi %ne3A_1365, %ne3A_1357 : vector<256x256xi1>
    %add3A_1367 = vector.broadcast %select_n3A_1352 : i32 to vector<256x256xi32>
    %add3A_1368 = arith.addi %rem3A_1354, %add3A_1367 : vector<256x256xi32>
    %select_n3A_1369 = arith.select %and3A_1366, %add3A_1368, %rem3A_1354 : vector<256x256xi1>, vector<256x256xi32>
    %jit3A_1370 = arith.constant 2 : i32
    %div3A_1371 = vector.broadcast %jit3A_1370 : i32 to vector<256x256xi32>
    %div3A_1372 = arith.divsi %select_n3A_1369, %div3A_1371 : vector<256x256xi32>
    %sign3A_1373 = arith.constant 0 : i32
    %sign3A_1374 = vector.broadcast %sign3A_1373 : i32 to vector<256x256xi32>
    %sign3A_1375 = arith.cmpi sgt, %select_n3A_1369, %sign3A_1374 : vector<256x256xi32>
    %sign3A_1376 = arith.extui %sign3A_1375 : vector<256x256xi1> to vector<256x256xi32>
    %sign3A_1377 = arith.constant 0 : i32
    %sign3A_1378 = vector.broadcast %sign3A_1377 : i32 to vector<256x256xi32>
    %sign3A_1379 = arith.cmpi slt, %select_n3A_1369, %sign3A_1378 : vector<256x256xi32>
    %sign3A_1380 = arith.extui %sign3A_1379 : vector<256x256xi1> to vector<256x256xi32>
    %sign3A_1381 = arith.subi %sign3A_1376, %sign3A_1380 : vector<256x256xi32>
    %sign3A_1382 = arith.constant 0 : i32
    %sign3A_1383 = arith.cmpi sgt, %jit3A_1370, %sign3A_1382 : i32
    %sign3A_1384 = arith.extui %sign3A_1383 : i1 to i32
    %sign3A_1385 = arith.constant 0 : i32
    %sign3A_1386 = arith.cmpi slt, %jit3A_1370, %sign3A_1385 : i32
    %sign3A_1387 = arith.extui %sign3A_1386 : i1 to i32
    %sign3A_1388 = arith.subi %sign3A_1384, %sign3A_1387 : i32
    %ne3A_1389 = vector.broadcast %sign3A_1388 : i32 to vector<256x256xi32>
    %ne3A_1390 = arith.cmpi ne, %sign3A_1381, %ne3A_1389 : vector<256x256xi32>
    %rem3A_1391 = vector.broadcast %jit3A_1370 : i32 to vector<256x256xi32>
    %rem3A_1392 = arith.remsi %select_n3A_1369, %rem3A_1391 : vector<256x256xi32>
    %ne3A_1393 = arith.constant 0 : i32
    %ne3A_1394 = vector.broadcast %ne3A_1393 : i32 to vector<256x256xi32>
    %ne3A_1395 = arith.cmpi ne, %rem3A_1392, %ne3A_1394 : vector<256x256xi32>
    %and3A_1396 = arith.andi %ne3A_1390, %ne3A_1395 : vector<256x256xi1>
    %sub3A_1397 = arith.constant 1 : i32
    %sub3A_1398 = vector.broadcast %sub3A_1397 : i32 to vector<256x256xi32>
    %sub3A_1399 = arith.subi %div3A_1372, %sub3A_1398 : vector<256x256xi32>
    %select_n3A_1400 = arith.select %and3A_1396, %sub3A_1399, %div3A_1372 : vector<256x256xi1>, vector<256x256xi32>
    %eq3A_1401 = arith.cmpi eq, %select_n3A_1347, %select_n3A_1400 : vector<256x256xi32>
    %jit3A_1402 = arith.constant 32 : i32
    %eq3A_1403 = arith.constant 0 : i32
    %eq3A_1404 = arith.cmpi eq, %jit3A_1402, %eq3A_1403 : i32
    %jit3A_1405 = arith.constant 1 : i32
    %select_n3A_1406 = arith.select %eq3A_1404, %jit3A_1405, %jit3A_1402 : i32
    %rem3A_1407 = vector.broadcast %select_n3A_1406 : i32 to vector<256x256xi32>
    %rem3A_1408 = arith.remsi %iota3A_1315, %rem3A_1407 : vector<256x256xi32>
    %ne3A_1409 = arith.constant 0 : i32
    %ne3A_1410 = vector.broadcast %ne3A_1409 : i32 to vector<256x256xi32>
    %ne3A_1411 = arith.cmpi ne, %rem3A_1408, %ne3A_1410 : vector<256x256xi32>
    %lt3A_1412 = arith.constant 0 : i32
    %lt3A_1413 = vector.broadcast %lt3A_1412 : i32 to vector<256x256xi32>
    %lt3A_1414 = arith.cmpi slt, %rem3A_1408, %lt3A_1413 : vector<256x256xi32>
    %lt3A_1415 = arith.constant 0 : i32
    %lt3A_1416 = arith.cmpi slt, %select_n3A_1406, %lt3A_1415 : i32
    %ne3A_1417 = vector.broadcast %lt3A_1416 : i1 to vector<256x256xi1>
    %ne3A_1418 = vector.broadcast %ne3A_1417 : vector<256x256xi1> to vector<256x256xi1>
    %ne3A_1419 = arith.xori %lt3A_1414, %ne3A_1418 : vector<256x256xi1>
    %and3A_1420 = arith.andi %ne3A_1419, %ne3A_1411 : vector<256x256xi1>
    %add3A_1421 = vector.broadcast %select_n3A_1406 : i32 to vector<256x256xi32>
    %add3A_1422 = arith.addi %rem3A_1408, %add3A_1421 : vector<256x256xi32>
    %select_n3A_1423 = arith.select %and3A_1420, %add3A_1422, %rem3A_1408 : vector<256x256xi1>, vector<256x256xi32>
    %jit3A_1424 = arith.constant 2 : i32
    %div3A_1425 = vector.broadcast %jit3A_1424 : i32 to vector<256x256xi32>
    %div3A_1426 = arith.divsi %select_n3A_1423, %div3A_1425 : vector<256x256xi32>
    %sign3A_1427 = arith.constant 0 : i32
    %sign3A_1428 = vector.broadcast %sign3A_1427 : i32 to vector<256x256xi32>
    %sign3A_1429 = arith.cmpi sgt, %select_n3A_1423, %sign3A_1428 : vector<256x256xi32>
    %sign3A_1430 = arith.extui %sign3A_1429 : vector<256x256xi1> to vector<256x256xi32>
    %sign3A_1431 = arith.constant 0 : i32
    %sign3A_1432 = vector.broadcast %sign3A_1431 : i32 to vector<256x256xi32>
    %sign3A_1433 = arith.cmpi slt, %select_n3A_1423, %sign3A_1432 : vector<256x256xi32>
    %sign3A_1434 = arith.extui %sign3A_1433 : vector<256x256xi1> to vector<256x256xi32>
    %sign3A_1435 = arith.subi %sign3A_1430, %sign3A_1434 : vector<256x256xi32>
    %sign3A_1436 = arith.constant 0 : i32
    %sign3A_1437 = arith.cmpi sgt, %jit3A_1424, %sign3A_1436 : i32
    %sign3A_1438 = arith.extui %sign3A_1437 : i1 to i32
    %sign3A_1439 = arith.constant 0 : i32
    %sign3A_1440 = arith.cmpi slt, %jit3A_1424, %sign3A_1439 : i32
    %sign3A_1441 = arith.extui %sign3A_1440 : i1 to i32
    %sign3A_1442 = arith.subi %sign3A_1438, %sign3A_1441 : i32
    %ne3A_1443 = vector.broadcast %sign3A_1442 : i32 to vector<256x256xi32>
    %ne3A_1444 = arith.cmpi ne, %sign3A_1435, %ne3A_1443 : vector<256x256xi32>
    %rem3A_1445 = vector.broadcast %jit3A_1424 : i32 to vector<256x256xi32>
    %rem3A_1446 = arith.remsi %select_n3A_1423, %rem3A_1445 : vector<256x256xi32>
    %ne3A_1447 = arith.constant 0 : i32
    %ne3A_1448 = vector.broadcast %ne3A_1447 : i32 to vector<256x256xi32>
    %ne3A_1449 = arith.cmpi ne, %rem3A_1446, %ne3A_1448 : vector<256x256xi32>
    %and3A_1450 = arith.andi %ne3A_1444, %ne3A_1449 : vector<256x256xi1>
    %sub3A_1451 = arith.constant 1 : i32
    %sub3A_1452 = vector.broadcast %sub3A_1451 : i32 to vector<256x256xi32>
    %sub3A_1453 = arith.subi %div3A_1426, %sub3A_1452 : vector<256x256xi32>
    %select_n3A_1454 = arith.select %and3A_1450, %sub3A_1453, %div3A_1426 : vector<256x256xi1>, vector<256x256xi32>
    %jit3A_1455 = arith.constant 16 : i32
    %div3A_1456 = vector.broadcast %jit3A_1455 : i32 to vector<256x256xi32>
    %div3A_1457 = arith.divsi %iota3A_1316, %div3A_1456 : vector<256x256xi32>
    %sign3A_1458 = arith.constant 0 : i32
    %sign3A_1459 = vector.broadcast %sign3A_1458 : i32 to vector<256x256xi32>
    %sign3A_1460 = arith.cmpi sgt, %iota3A_1316, %sign3A_1459 : vector<256x256xi32>
    %sign3A_1461 = arith.extui %sign3A_1460 : vector<256x256xi1> to vector<256x256xi32>
    %sign3A_1462 = arith.constant 0 : i32
    %sign3A_1463 = vector.broadcast %sign3A_1462 : i32 to vector<256x256xi32>
    %sign3A_1464 = arith.cmpi slt, %iota3A_1316, %sign3A_1463 : vector<256x256xi32>
    %sign3A_1465 = arith.extui %sign3A_1464 : vector<256x256xi1> to vector<256x256xi32>
    %sign3A_1466 = arith.subi %sign3A_1461, %sign3A_1465 : vector<256x256xi32>
    %sign3A_1467 = arith.constant 0 : i32
    %sign3A_1468 = arith.cmpi sgt, %jit3A_1455, %sign3A_1467 : i32
    %sign3A_1469 = arith.extui %sign3A_1468 : i1 to i32
    %sign3A_1470 = arith.constant 0 : i32
    %sign3A_1471 = arith.cmpi slt, %jit3A_1455, %sign3A_1470 : i32
    %sign3A_1472 = arith.extui %sign3A_1471 : i1 to i32
    %sign3A_1473 = arith.subi %sign3A_1469, %sign3A_1472 : i32
    %ne3A_1474 = vector.broadcast %sign3A_1473 : i32 to vector<256x256xi32>
    %ne3A_1475 = arith.cmpi ne, %sign3A_1466, %ne3A_1474 : vector<256x256xi32>
    %rem3A_1476 = vector.broadcast %jit3A_1455 : i32 to vector<256x256xi32>
    %rem3A_1477 = arith.remsi %iota3A_1316, %rem3A_1476 : vector<256x256xi32>
    %ne3A_1478 = arith.constant 0 : i32
    %ne3A_1479 = vector.broadcast %ne3A_1478 : i32 to vector<256x256xi32>
    %ne3A_1480 = arith.cmpi ne, %rem3A_1477, %ne3A_1479 : vector<256x256xi32>
    %and3A_1481 = arith.andi %ne3A_1475, %ne3A_1480 : vector<256x256xi1>
    %sub3A_1482 = arith.constant 1 : i32
    %sub3A_1483 = vector.broadcast %sub3A_1482 : i32 to vector<256x256xi32>
    %sub3A_1484 = arith.subi %div3A_1457, %sub3A_1483 : vector<256x256xi32>
    %select_n3A_1485 = arith.select %and3A_1481, %sub3A_1484, %div3A_1457 : vector<256x256xi1>, vector<256x256xi32>
    %eq3A_1486 = arith.cmpi eq, %select_n3A_1454, %select_n3A_1485 : vector<256x256xi32>
    %and3A_1487 = arith.andi %eq3A_1401, %eq3A_1486 : vector<256x256xi1>
    %jit3A_1488 = arith.constant 2 : i32
    %eq3A_1489 = arith.constant 0 : i32
    %eq3A_1490 = arith.cmpi eq, %jit3A_1488, %eq3A_1489 : i32
    %jit3A_1491 = arith.constant 1 : i32
    %select_n3A_1492 = arith.select %eq3A_1490, %jit3A_1491, %jit3A_1488 : i32
    %rem3A_1493 = vector.broadcast %select_n3A_1492 : i32 to vector<256x256xi32>
    %rem3A_1494 = arith.remsi %iota3A_1315, %rem3A_1493 : vector<256x256xi32>
    %ne3A_1495 = arith.constant 0 : i32
    %ne3A_1496 = vector.broadcast %ne3A_1495 : i32 to vector<256x256xi32>
    %ne3A_1497 = arith.cmpi ne, %rem3A_1494, %ne3A_1496 : vector<256x256xi32>
    %lt3A_1498 = arith.constant 0 : i32
    %lt3A_1499 = vector.broadcast %lt3A_1498 : i32 to vector<256x256xi32>
    %lt3A_1500 = arith.cmpi slt, %rem3A_1494, %lt3A_1499 : vector<256x256xi32>
    %lt3A_1501 = arith.constant 0 : i32
    %lt3A_1502 = arith.cmpi slt, %select_n3A_1492, %lt3A_1501 : i32
    %ne3A_1503 = vector.broadcast %lt3A_1502 : i1 to vector<256x256xi1>
    %ne3A_1504 = vector.broadcast %ne3A_1503 : vector<256x256xi1> to vector<256x256xi1>
    %ne3A_1505 = arith.xori %lt3A_1500, %ne3A_1504 : vector<256x256xi1>
    %and3A_1506 = arith.andi %ne3A_1505, %ne3A_1497 : vector<256x256xi1>
    %add3A_1507 = vector.broadcast %select_n3A_1492 : i32 to vector<256x256xi32>
    %add3A_1508 = arith.addi %rem3A_1494, %add3A_1507 : vector<256x256xi32>
    %select_n3A_1509 = arith.select %and3A_1506, %add3A_1508, %rem3A_1494 : vector<256x256xi1>, vector<256x256xi32>
    %jit3A_1510 = arith.constant 2 : i32
    %eq3A_1511 = arith.constant 0 : i32
    %eq3A_1512 = arith.cmpi eq, %jit3A_1510, %eq3A_1511 : i32
    %jit3A_1513 = arith.constant 1 : i32
    %select_n3A_1514 = arith.select %eq3A_1512, %jit3A_1513, %jit3A_1510 : i32
    %rem3A_1515 = vector.broadcast %select_n3A_1514 : i32 to vector<256x256xi32>
    %rem3A_1516 = arith.remsi %iota3A_1316, %rem3A_1515 : vector<256x256xi32>
    %ne3A_1517 = arith.constant 0 : i32
    %ne3A_1518 = vector.broadcast %ne3A_1517 : i32 to vector<256x256xi32>
    %ne3A_1519 = arith.cmpi ne, %rem3A_1516, %ne3A_1518 : vector<256x256xi32>
    %lt3A_1520 = arith.constant 0 : i32
    %lt3A_1521 = vector.broadcast %lt3A_1520 : i32 to vector<256x256xi32>
    %lt3A_1522 = arith.cmpi slt, %rem3A_1516, %lt3A_1521 : vector<256x256xi32>
    %lt3A_1523 = arith.constant 0 : i32
    %lt3A_1524 = arith.cmpi slt, %select_n3A_1514, %lt3A_1523 : i32
    %ne3A_1525 = vector.broadcast %lt3A_1524 : i1 to vector<256x256xi1>
    %ne3A_1526 = vector.broadcast %ne3A_1525 : vector<256x256xi1> to vector<256x256xi1>
    %ne3A_1527 = arith.xori %lt3A_1522, %ne3A_1526 : vector<256x256xi1>
    %and3A_1528 = arith.andi %ne3A_1527, %ne3A_1519 : vector<256x256xi1>
    %add3A_1529 = vector.broadcast %select_n3A_1514 : i32 to vector<256x256xi32>
    %add3A_1530 = arith.addi %rem3A_1516, %add3A_1529 : vector<256x256xi32>
    %select_n3A_1531 = arith.select %and3A_1528, %add3A_1530, %rem3A_1516 : vector<256x256xi1>, vector<256x256xi32>
    %eq3A_1532 = arith.cmpi eq, %select_n3A_1509, %select_n3A_1531 : vector<256x256xi32>
    %and3A_1533 = arith.andi %and3A_1487, %eq3A_1532 : vector<256x256xi1>
    %convert_element_type3A_1534 = arith.extui %and3A_1533 : vector<256x256xi1> to vector<256x256xi32>
    %convert_element_type3A_1535 = arith.sitofp %convert_element_type3A_1534 : vector<256x256xi32> to vector<256x256xf32>
    %dot_general3A_1536 = arith.constant dense<0.000000e+00> : vector<128x256xf32>
    %dot_general3A_1537 = tpu.matmul %concatenate3A_1314, %convert_element_type3A_1535, %dot_general3A_1536 {dimension_numbers = #tpu.dot_dimension_numbers<[1], [0], [0], [1], [0, 0, 1, 1], [], []>, transpose_lhs_hint = false} : vector<128x256xf32>, vector<256x256xf32>, vector<128x256xf32> -> vector<128x256xf32>
    %get3A_1538 = arith.constant 0 : index
    %get3A_1539 = arith.constant 0 : index
    %get3A_1540 = vector.load %arg5[%get3A_1538, %get3A_1539] : memref<128x128xf32, #tpu.memory_space<vmem>>, vector<128x128xf32>
    %dot_general3A_1541 = arith.constant dense<0.000000e+00> : vector<128x256xf32>
    %dot_general3A_1542 = tpu.matmul %get3A_1540, %dot_general3A_1537, %dot_general3A_1541 {dimension_numbers = #tpu.dot_dimension_numbers<[1], [0], [0], [1], [0, 0, 1, 1], [], []>, transpose_lhs_hint = false} : vector<128x128xf32>, vector<128x256xf32>, vector<128x256xf32> -> vector<128x256xf32>
    %get3A_1543 = arith.constant 0 : index
    %get3A_1544 = arith.constant 0 : index
    %get3A_1545 = vector.load %arg6[%get3A_1543, %get3A_1544] : memref<128x1xf32, #tpu.memory_space<vmem>>, vector<128x1xf32>
    %add3A_1546 = vector.broadcast %get3A_1545 : vector<128x1xf32> to vector<128x256xf32>
    %add3A_1547 = arith.addf %dot_general3A_1542, %add3A_1546 : vector<128x256xf32>
    %concatenate3A_1548 = tpu.concatenate %add3A_1547, %dot_general3A_41 in 0 : vector<128x256xf32>, vector<128x256xf32> -> vector<256x256xf32>
    %swap3A = arith.constant 0 : index
    %swap3A_1549 = arith.constant 0 : index
    %swap3A_1550 = arith.constant 0 : index
    %swap3A_1551 = vector.load %arg7[%swap3A, %swap3A_1549, %swap3A_1550] : memref<1x256x256xf32, #tpu.memory_space<vmem>>, vector<1x256x256xf32>
    %swap3A_1552 = vector.shape_cast %swap3A_1551 : vector<1x256x256xf32> to vector<256x256xf32>
    %swap3A_1553 = vector.shape_cast %concatenate3A_1548 : vector<256x256xf32> to vector<1x256x256xf32>
    tpu.vector_store %arg7[%swap3A, %swap3A_1549, %swap3A_1550], %swap3A_1553 {strides = array<i32>} : memref<1x256x256xf32, #tpu.memory_space<vmem>>, vector<1x256x256xf32>,
    return
  }
  func.func @transform_0(%arg0: i32, %arg1: i32) -> (i32, i32, i32) {
    %c0_i32 = arith.constant 0 : i32
    %c0_i32_0 = arith.constant 0 : i32
    %c0_i32_1 = arith.constant 0 : i32
    return %arg0, %c0_i32, %c0_i32_0 : i32, i32, i32
  }
  func.func @transform_1(%arg0: i32, %arg1: i32) -> (i32, i32) {
    %mul3A = arith.constant 128 : i32
    %mul3A_0 = arith.muli %arg0, %mul3A : i32
    %add3A = arith.addi %mul3A_0, %arg1 : i32
    %c0_i32 = arith.constant 0 : i32
    %c0_i32_1 = arith.constant 0 : i32
    return %add3A, %c0_i32 : i32, i32
  }
  func.func @transform_2(%arg0: i32, %arg1: i32) -> (i32, i32) {
    %c0_i32 = arith.constant 0 : i32
    %c0_i32_0 = arith.constant 0 : i32
    %c0_i32_1 = arith.constant 0 : i32
    return %c0_i32, %c0_i32_0 : i32, i32
  }
  func.func @transform_3(%arg0: i32, %arg1: i32) -> (i32, i32) {
    %c0_i32 = arith.constant 0 : i32
    %c0_i32_0 = arith.constant 0 : i32
    %c0_i32_1 = arith.constant 0 : i32
    return %c0_i32, %c0_i32_0 : i32, i32
  }
  func.func @transform_4(%arg0: i32, %arg1: i32) -> (i32, i32) {
    %c0_i32 = arith.constant 0 : i32
    %c0_i32_0 = arith.constant 0 : i32
    %c0_i32_1 = arith.constant 0 : i32
    return %c0_i32, %c0_i32_0 : i32, i32
  }
  func.func @transform_5(%arg0: i32, %arg1: i32) -> (i32, i32, i32) {
    %c0_i32 = arith.constant 0 : i32
    %c0_i32_0 = arith.constant 0 : i32
    return %arg0, %c0_i32, %arg1 : i32, i32, i32
  }
}

</mosaic_0001>

<sc_bundles>
// kernel: kernel.5.cloned.1.call-start
scs
__scs_entry_jumppad:
0x0: {  	(pc) =	sbr.rel $0x88, $3  }
0x1: {  	(tag) =	ssettag $0x0;
	lr =	simm.s32 $0x1  }
0x2: {  	[smem:$0x3F9D] =	sst lr;
	_ =	strace $0xD0000000  }
0x3: {  	_ = 	snop  }
0x4: {  	_ = 	snop  }
0x5: {  	_ = 	snop  }
0x6: {  	_ = 	snop  }
0x7: {  	_ = 	snop  }
__scs_overlays_trampoline_lowered:
0x8: {  	[smem:$0x3FAC] =	sst s0  }
0x9: {  	[smem:$0x3FAD] =	sst s1  }
0xa: {  	[smem:$0x3FAE] =	sst s2  }
0xb: {  	[smem:$0x3FAF] =	sst s3  }
0xc: {  	[smem:$0x3FB0] =	sst s4  }
0xd: {  	[smem:$0x3FB1] =	sst s5  }
0xe: {  	[smem:$0x3FB2] =	sst s6  }
0xf: {  	[smem:$0x3FB3] =	sst s7  }
0x10: {  	[smem:$0x3FB4] =	sst s8  }
0x11: {  	[smem:$0x3FB5] =	sst s9;
	s0 =	simm.s32 @!p0 $0x0  }
0x12: {  	s1 =	sld [smem:$0x3F9B];
	s0 =	simm.s32 @p0 $0x1  }
0x13: {  	[smem:$0x3FB6] =	sst s0;
	s0 =	simm.s32 @!p1 $0x0  }
0x14: {  	s2 =	sld [smem:$0x3F9A];
	s0 =	simm.s32 @p1 $0x1  }
0x15: {  	[smem:$0x3FB7] =	sst s0;
	s0 =	simm.s32 @!p2 $0x0  }
0x16: {  	s3 =	sld [smem:$0x3FDB];
	s0 =	simm.s32 @p2 $0x1  }
0x17: {  	s4 =	simm.s32 $0x1BF5;
	[smem:$0x3FB9] =	sst s0  }
0x18: {  	s0 =	sld [smem:$0x3F9C];
	_ =	swait.ge [sflag:s4], $0x0  }
0x19: {  	s7 =	sld [smem:$0x3F9D]  }
0x1a: {  	s8 =	sadd.s32 $0xFFFFE003, lr  }
0x1b: {  	s9 =	sadd.s32 $0xFFFFFEF7, lr;
	s5 =	simm.s32 $0xFFFFFFFF;
	p2 =	slt.u32 s8, $0xFFFFF086  }
0x1c: {  	p1 =	slt.u32 s9, $0xF7A;
	s5 =	simm.s32 @!p2 $0x0  }
0x1d: {  	s5 =	simm.s32 @p1 $0x1;
	p0 =	seq.s32 s7, s2  }
0x1e: {  	s7 =	smul.u32 @!p0 $0xF7A, s2;
	p2 =	seq.s32 @!p0 s5, $0x0  }
0x1f: {  	s9 =	smul.u32 $0xF7A, s1;
	s8 =	simm.s32 @!p0 $0x1BF5;
	p2 =	por !p2, p0  }
0x20: {  	[sflag:s8] =	ssyncset.s32 @!p0 $0xFFFFF086;
	s6 =	sadd.s32 @!p0 s3, s7;
	s7 =	simm.s32 @!p0 $0x108  }
0x21: {  	s3 =	sadd.s32 s3, s9;
	s6 =	sadd.s32 @!p0 $0x88, s6;
	s7 =	simm.s32 @p2 $0x1082  }
0x22: {  	[simem:s7], [sflag:s8] =	dma.local @!p0 [hbm:s6], $0xF7A  }
0x23: {  	s9 =	sor.u32 $0xD0000000, s2;
	s6 =	simm.s32 $0x108;
	_ =	swait.ge @!p0 [sflag:s8], $0x0  }
0x24: {  	s3 =	sadd.s32 $0x88, s3;
	s6 =	simm.s32 @!p1 $0x1082;
	[sflag:s4] =	ssyncset.s32 $0xFFFFF086  }
0x25: {  	[simem:s6], [sflag:s4] =	dma.local [hbm:s3], $0xF7A  }
0x26: {  	[smem:$0x3F9D] =	sst s1;
	(tag) =	ssettag s2;
	_ =	strace s9  }
0x27: {  	s1 =	sld [smem:$0x3FAD]  }
0x28: {  	s2 =	sld [smem:$0x3FAE]  }
0x29: {  	s4 =	sld [smem:$0x3FB0]  }
0x2a: {  	p0 =	seq.s32 s5, $0x0;
	s5 =	sld [smem:$0x3FB1]  }
0x2b: {  	s6 =	sld [smem:$0x3FB2]  }
0x2c: {  	s7 =	sld [smem:$0x3FB3]  }
0x2d: {  	s3 =	simm.s32 $0x108;
	s8 =	sld [smem:$0x3FB4]  }
0x2e: {  	s3 =	simm.s32 @!p0 $0x1082;
	s9 =	sld [smem:$0x3FB5]  }
0x2f: {  	lr =	sadd.s32 s0, s3;
	s0 =	sld [smem:$0x3FAC]  }
0x30: {  	s3 =	sld [smem:$0x3FAF]  }
0x31: {  	[smem:$0x3FB8] =	sst s10  }
0x32: {  	s10 =	sld [smem:$0x3FB6];
	_ =	sdelay $0x3  }
0x33: {  	p0 =	seq.s32 s10, $0x1;
	s10 =	sld [smem:$0x3FB8];
	_ =	sdelay $0x3  }
0x34: {  	[smem:$0x3FB8] =	sst s10  }
0x35: {  	s10 =	sld [smem:$0x3FB7];
	_ =	sdelay $0x3  }
0x36: {  	p1 =	seq.s32 s10, $0x1;
	s10 =	sld [smem:$0x3FB8];
	_ =	sdelay $0x3  }
0x37: {  	[smem:$0x3FB8] =	sst s10  }
0x38: {  	s10 =	sld [smem:$0x3FB9]  }
0x39: {  	_ = 	snop;
	(pc) =	sbr.ind lr, $3  }
0x3a: {  	_ = 	snop  }
0x3b: {  	_ = 	snop  }
0x3c: {  	p2 =	seq.s32 s10, $0x1;
	s10 =	sld [smem:$0x3FB8]  }
0x3d: {  	_ =	shalt  }
0x3e: {  	_ =	shalt  }
0x3f: {  	_ =	shalt  }
0x40: {  	_ =	shalt  }
0x41: {  	_ =	shalt  }
0x42: {  	_ =	shalt  }
0x43: {  	_ =	shalt  }
0x44: {  	_ =	shalt  }
0x45: {  	_ =	shalt  }
0x46: {  	_ =	shalt  }
0x47: {  	_ =	shalt  }
0x48: {  	_ =	shalt  }
0x49: {  	_ =	shalt  }
0x4a: {  	_ =	shalt  }
0x4b: {  	_ =	shalt  }
0x4c: {  	_ =	shalt  }
0x4d: {  	_ =	shalt  }
0x4e: {  	_ =	shalt  }
0x4f: {  	_ =	shalt  }
0x50: {  	_ =	shalt  }
0x51: {  	_ =	shalt  }
0x52: {  	_ =	shalt  }
0x53: {  	_ =	shalt  }
0x54: {  	_ =	shalt  }
0x55: {  	_ =	shalt  }
0x56: {  	_ =	shalt  }
0x57: {  	_ =	shalt  }
0x58: {  	_ =	shalt  }
0x59: {  	_ =	shalt  }
0x5a: {  	_ =	shalt  }
0x5b: {  	_ =	shalt  }
0x5c: {  	_ =	shalt  }
0x5d: {  	_ =	shalt  }
0x5e: {  	_ =	shalt  }
0x5f: {  	_ =	shalt  }
0x60: {  	_ =	shalt  }
0x61: {  	_ =	shalt  }
0x62: {  	_ =	shalt  }
0x63: {  	_ =	shalt  }
0x64: {  	_ =	shalt  }
0x65: {  	_ =	shalt  }
0x66: {  	_ =	shalt  }
0x67: {  	_ =	shalt  }
0x68: {  	_ =	shalt  }
0x69: {  	_ =	shalt  }
0x6a: {  	_ =	shalt  }
0x6b: {  	_ =	shalt  }
0x6c: {  	_ =	shalt  }
0x6d: {  	_ =	shalt  }
0x6e: {  	_ =	shalt  }
0x6f: {  	_ =	shalt  }
0x70: {  	_ =	shalt  }
0x71: {  	_ =	shalt  }
0x72: {  	_ =	shalt  }
0x73: {  	_ =	shalt  }
0x74: {  	_ =	shalt  }
0x75: {  	_ =	shalt  }
0x76: {  	_ =	shalt  }
0x77: {  	_ =	shalt  }
0x78: {  	_ =	shalt  }
0x79: {  	_ =	shalt  }
0x7a: {  	_ =	shalt  }
0x7b: {  	_ =	shalt  }
0x7c: {  	_ =	shalt  }
0x7d: {  	_ =	shalt  }
0x7e: {  	_ =	shalt  }
0x7f: {  	_ =	shalt  }
0x80: {  	_ =	shalt  }
0x81: {  	_ =	shalt  }
0x82: {  	_ =	shalt  }
0x83: {  	_ =	shalt  }
0x84: {  	_ =	shalt  }
0x85: {  	_ =	shalt  }
0x86: {  	_ =	shalt  }
0x87: {  	_ =	shalt  }
.Lfunc_end0:
.L_simem_size_0:
called_computation.1_lowered:
.L_overlay_start_0:
0x88: {  	s2 =	sld [smem:$0x3FD9]  }
0x89: {  	s3 =	sld [smem:$0x3FFE];
	_ =	sdelay $0x1  }
0x8a: {  	s1 =	srdreg.scid  }
0x8b: {  	s0 =	sand.u32 $0x1, s1  }
0x8c: {  	s17 =	sshll.u32 s0, $0xA;
	s2 =	sadd.s32 s3, s2  }
0x8d: {  	s2 =	sadd.s32 s2, s17  }
0x8e: {  	[smem:$0x3FC4] =	sst s2  }
0x8f: {  	_ = 	snop  }
0x90: {  	s2 =	sld [smem:$0x3FD0];
	(tm) =	ssettm $0x1  }
0x91: {  	s18 =	sld [smem:$0x3FFB];
	_ =	sdelay $0x3  }
0x92: {  	_ =	strace s18  }
0x93: {  	s3 =	sld [smem:$0x3FFC];
	_ =	sdelay $0x3  }
0x94: {  	_ =	strace s3  }
0x95: {  	s3 =	sld [smem:$0x3FFD];
	_ =	sdelay $0x3  }
0x96: {  	_ =	strace s3  }
0x97: {  	_ =	strace $0x8FFFFFFF  }
0x98: {  	s19 =	sld [smem:$0x3FDB];
	_ =	sdelay $0x1  }
0x99: {  	s4 =	simm.s32 $_scs_section_size  }
0x9a: {  	s5 =	simm.s32 $_size__tile_overlayer_lowered;
	s6 =	simm.s32 $_tile_overlayer_lowered  }
0x9b: {  	s22 =	simm.s32 $0x1BFF;
	s21 =	sshll.u32 s6, $0x1;
	s3 =	sadd.s32 s4, s19  }
0x9c: {  	s7 =	simm.s32 $0x0;
	s20 =	sshll.u32 s5, $0x1;
	s5 =	sadd.s32 s21, s3  }
0x9d: {  	[timem:s7], [sflag:s22] =	dma.local [hbm:s5], s20  }
0x9e: {  	_ =	swait.ge [sflag:s22], s20  }
0x9f: {  	s4 =	ssub.s32 $0x0, s20;
	[sflag:s22] =	ssyncset.done $0x0  }
0xa0: {  	[sflag:s22] =	ssyncadd.s32 s4;
	_ =	sdelay $0x1  }
0xa1: {  	s23 =	simm.s32 $0x1B8B  }
0xa2: {  	_ =	swait.ge [sflag:s23], $0x1  }
0xa3: {  	[sflag:s23] =	ssyncset.done $0x0  }
0xa4: {  	s25 =	simm.s32 $0x1B8E;
	s24 =	sld [smem:$0x3FFE];
	[sflag:s23] =	ssyncadd.s32 $0xFFFFFFFF  }
0xa5: {  	s26 =	simm.s32 $execute0_lowered;
	[smem:$0x3FD2] =	sst s25  }
0xa6: {  	s5 =	sshll.u32 s26, $0x1;
	_ =	strace $0x80000046;
	[dreg:$0x1] =	wrdreg $0xFFFFFFFF  }
0xa7: {  	s28 =	simm.s32 $_size_execute0_lowered;
	s3 =	sadd.s32 s3, s5;
	[dreg:$0x0] =	wrdreg $0x0  }
0xa8: {  	s5 =	sshll.u32 s28, $0x1;
	[dreg:$0x2] =	wrdreg s3  }
0xa9: {  	[dreg:$0x3] =	wrdreg s5  }
0xaa: {  	[dreg:$0x4] =	wrdreg $0xC0  }
0xab: {  	_ =	task [dreg:s7], $0x5FFFF  }
0xac: {  	[dreg:$0x1] =	wrdreg $0xFFFFFFFF  }
0xad: {  	[dreg:$0x0] =	wrdreg $0x60  }
0xae: {  	[dreg:$0x2] =	wrdreg s2  }
0xaf: {  	[dreg:$0x3] =	wrdreg s24  }
0xb0: {  	[dreg:$0x4] =	wrdreg $0x9  }
0xb1: {  	_ =	task.clear_ibuf [dreg:s7], $0x5FFFF;
	_ =	strace $0x90000046  }
0xb2: {  	s29 =	simm.s32 $0x9;
	_ =	strace $0x80000048  }
0xb3: {  	_ =	swait.ge [sflag:s29], $0x1  }
0xb4: {  	[sflag:s29] =	ssyncadd.s32 $0xFFFFFFFF  }
0xb5: {  	_ =	strace $0x90000048  }
0xb6: {  	_ =	sfence  }
0xb7: {  	s30 =	sld [smem:$0x0];
	_ =	sdelay $0x2  }
0xb8: {  	s31 =	sshll.u32 s1, $0xD;
	s1 =	sshrl.u32 s1, $0x2  }
0xb9: {  	s3 =	sand.u32 $0x4000, s31;
	s1 =	sadd.s32 s1, s30  }
0xba: {  	s0 =	sor.u32 s3, s0;
	s1 =	sshll.u32 s1, $0x11  }
0xbb: {  	s0 =	sor.u32 s1, s0  }
0xbc: {  	s0 =	sadd.s32 $0x8F2B, s0  }
0xbd: {  	[sflag:s0] =	ssyncadd.remote.s32 $0x1  }
0xbe: {  	_ =	sfence.sel $0xFFFF  }
0xbf: {  	[dreg:$0x0] =	wrdreg $0xFFFFFFFF;
	(pc) =	sbr.abs _section_cstart, $3  }
0xc0: {  	[dreg:$0x1] =	wrdreg $0xFFFFFFFF  }
0xc1: {  	_ =	task.clear_ibuf [dreg:s7], $0x2FFFF;
	_ =	strace $0x9FFFFFFF  }
0xc2: {  	(tm) =	ssettm $0x7FFFFFFF  }
0xc3: {  	_ =	shalt  }
tec
execute0_lowered:
.L_overlay_start_1:
0x0: {  	(tag) =	ssettag $0x1  }
0x1: {  	s1 =	rddreg [dreg:$0x0]  }
0x2: {  	s4 =	rddreg [dreg:$0x1]  }
0x3: {  	s0 =	rddreg [dreg:$0x2];
	s5 =	srdreg.scid  }
0x4: {  	s3 =	simm.s32 $0x0;
	s2 =	stileid.u32;
	s10 =	simm.s32 $0x0  }
0x5: {  	s5 =	sand.u32 $0x1, s5;
	[smem:$0x7FF] =	sst s3;
	s6 =	sshll.u32 s2, $0xD  }
0x6: {  	s8 =	sshll.u32 s2, $0x11;
	s7 =	sshll.u32 s5, $0xC;
	_ =	strace $0x80000047  }
0x7: {  	s31 =	ssub.s32 $0x2, s5;
	s8 =	sadd.s32 s8, s4;
	s5 =	sshll.u32 s5, $0x10  }
0x8: {  	s6 =	sor.u32 s7, s6;
	s9 =	sshrl.u32 s31, $0x1;
	s5 =	sadd.s32 s5, s8  }
0x9: {  	s8 =	simm.s32 $0x80;
	s6 =	sshrl.u32 s6, $0x3;
	s7 =	ssub.s32 s31, s9  }
0xa: {  	s5 =	sadd.s32 $0x5000, s5;
	s9 =	simm.s32 $0x1;
	s6 =	sadd.s32 s6, s4  }
0xb: {  	s4 =	smax.u32 s7, $0x1;
	s7 =	simm.s32 $0x2;
	s6 =	sadd.s32 $0x1000, s6  }
.LBB2_1:
0xc: {  	s11 =	sadd.s32 $0x0, s6  }
0xd: {  	[tilespmem:s3], [sflag:$0x2] =	stream.linear.gather [hbm4b:s11+s3], $0x80, $0x38;
	[tilespmem:$0x4080] =	vst v63  }
0xe: {  	_ =	swait.ge [sflag:s7], $0x80  }
0xf: {  	[sflag:s7] =	ssyncset.done $0x0  }
0x10: {  	[sflag:s7] =	ssyncadd.s32 $0xFFFFFF80  }
0x11: {  	[tilespmem:s8], [sflag:$0x1] =	stream.indirect.gather [hbm4b:s1+s8], $0x80, s3, s8, $0xb8;
	[tilespmem:$0x4080] =	vst v63  }
0x12: {  	_ =	swait.ge [sflag:s9], $0x4000  }
0x13: {  	[sflag:s9] =	ssyncset.done $0x0  }
0x14: {  	[sflag:s9] =	ssyncadd.s32 $0xFFFFC000  }
0x15: {  	[hbm4b:s5+s3] =	stream.linear.scatter [tilespmem:s8], [sflag:$0x2], $0x4000, $0x38;
	[tilespmem:$0x4080] =	vst v63  }
0x16: {  	s12 =	simm.s32 $0x10;
	_ =	swait.ge [sflag:s7], $0x4000  }
0x17: {  	s13 =	simm.s32 $0x20;
	s11 =	sadd.s32 $0x800, s5;
	[sflag:s7] =	ssyncset.done $0x0  }
.LBB2_2:
0x18: {  	s14 =	sadd.s32 s12, s6  }
0x19: {  	[sflag:s7] =	ssyncadd.s32 $0xFFFFC000;
	s12 =	smov.u32 s13;
	s15 =	sadd.s32 $0x10, s13  }
0x1a: {  	[tilespmem:s3], [sflag:$0x2] =	stream.linear.gather [hbm4b:s14+s3], $0x80, $0x38;
	[tilespmem:$0x4080] =	vst v63  }
0x1b: {  	p0 =	sne.s32 s13, $0x1F0;
	_ =	swait.ge [sflag:s7], $0x80  }
0x1c: {  	[sflag:s7] =	ssyncset.done $0x0  }
0x1d: {  	[sflag:s7] =	ssyncadd.s32 $0xFFFFFF80  }
0x1e: {  	[tilespmem:s8], [sflag:$0x1] =	stream.indirect.gather [hbm4b:s1+s8], $0x80, s3, s8, $0xb8;
	[tilespmem:$0x4080] =	vst v63  }
0x1f: {  	_ =	swait.ge [sflag:s9], $0x4000  }
.Ltmp0:
0x20: {  	[sflag:s9] =	ssyncset.done $0x0;
	(pc) =	sbr.rel @p0 .LBB2_2-.Ltmp0, $4  }
0x21: {  	[sflag:s9] =	ssyncadd.s32 $0xFFFFC000  }
0x22: {  	[hbm4b:s11+s3] =	stream.linear.scatter [tilespmem:s8], [sflag:$0x2], $0x4000, $0x38;
	[tilespmem:$0x4080] =	vst v63  }
0x23: {  	_ =	swait.ge [sflag:s7], $0x4000  }
0x24: {  	s13 =	smov.u32 s15;
	s11 =	sadd.s32 $0x800, s11;
	[sflag:s7] =	ssyncset.done $0x0  }
0x25: {  	s12 =	sadd.s32 s12, s6;
	[sflag:s7] =	ssyncadd.s32 $0xFFFFC000  }
0x26: {  	[tilespmem:s3], [sflag:$0x2] =	stream.linear.gather [hbm4b:s12+s3], $0x80, $0x38;
	[tilespmem:$0x4080] =	vst v63  }
0x27: {  	_ =	swait.ge [sflag:s7], $0x80  }
0x28: {  	[sflag:s7] =	ssyncset.done $0x0  }
0x29: {  	[sflag:s7] =	ssyncadd.s32 $0xFFFFFF80  }
0x2a: {  	[tilespmem:s8], [sflag:$0x1] =	stream.indirect.gather [hbm4b:s1+s8], $0x80, s3, s8, $0xb8;
	[tilespmem:$0x4080] =	vst v63  }
0x2b: {  	s10 =	sadd.s32 $0x1, s10;
	_ =	swait.ge [sflag:s9], $0x4000  }
0x2c: {  	p0 =	sne.s32 s10, s4;
	[sflag:s9] =	ssyncset.done $0x0  }
.Ltmp1:
0x2d: {  	[sflag:s9] =	ssyncadd.s32 $0xFFFFC000;
	(pc) =	sbr.rel @p0 .LBB2_1-.Ltmp1, $4  }
0x2e: {  	[hbm4b:s11+s3] =	stream.linear.scatter [tilespmem:s8], [sflag:$0x2], $0x4000, $0x38;
	[tilespmem:$0x4080] =	vst v63  }
0x2f: {  	_ =	swait.ge [sflag:s7], $0x4000  }
0x30: {  	[sflag:s7] =	ssyncset.done $0x0  }
0x31: {  	[sflag:s7] =	ssyncadd.s32 $0xFFFFC000  }
0x32: {  	_ =	sfence.sel $0x180000  }
0x33: {  	[bflag:$0x0] =	sbarrier.arrive $0xFFFF  }
0x34: {  	p0 =	sne.s32 s2, $0x0;
	_ =	strace $0x90000047  }
0x35: {  	s0 =	sadd.s32 @!p0 $0x100000, s0;
	[bflag:$0x2] =	sbarrier.arrive $0xFFFF  }
0x36: {  	[sflag:s0] =	ssyncadd.tile.s32 @!p0 $0x1;
	_ =	shalt  }
.Lfunc_end2:
_tile_overlayer_lowered:
.L_overlay_start_2:
0x37: {  	(tag) =	ssettag $0x2  }
0x38: {  	s0 =	rddreg [dreg:$0x0];
	s2 =	stileid.u32  }
0x39: {  	s1 =	rddreg [dreg:$0x1];
	p0 =	sne.s32 s2, $0x0  }
0x3a: {  	s3 =	rddreg [dreg:$0x2];
	[bflag:$0x3] =	sbarrier.arrive $0xFFFF;
	s2 =	simm.s32 @!p0 $0x1C02  }
0x3b: {  	[timem:s3], [sflag:s2] =	dma.local @!p0 [hbm:s0], s1  }
0x3c: {  	s0 =	simm.s32 @!p0 $0x2  }
0x3d: {  	_ =	swait.ge @!p0 [sflag:s0], s1  }
0x3e: {  	s1 =	ssub.s32 @!p0 $0x0, s1;
	[sflag:s0] =	ssyncset.done @!p0 $0x0  }
0x3f: {  	[sflag:s0] =	ssyncadd.s32 @!p0 s1  }
0x40: {  	[bflag:$0x3] =	sbarrier.arrive $0xFFFF  }
0x41: {  	_ =	shalt  }

// kernel: sparse-core-data-format-call.cloned.1.call-start
scs
called_computation_lowered:
.L_overlay_start_0:
0x0: {  	s2 =	sld [smem:$0x3FD9]  }
0x1: {  	s3 =	sld [smem:$0x3FFE];
	_ =	sdelay $0x1  }
0x2: {  	s1 =	srdreg.scid  }
0x3: {  	s0 =	sand.u32 $0x1, s1  }
0x4: {  	s18 =	sshll.u32 s0, $0xA;
	s2 =	sadd.s32 s3, s2  }
0x5: {  	s2 =	sadd.s32 s2, s18  }
0x6: {  	[smem:$0x3FC4] =	sst s2  }
0x7: {  	_ = 	snop  }
0x8: {  	s2 =	sld [smem:$0x3FD0];
	(tm) =	ssettm $0x1  }
0x9: {  	s19 =	sld [smem:$0x3FFB];
	_ =	sdelay $0x3  }
0xa: {  	_ =	strace s19  }
0xb: {  	s3 =	sld [smem:$0x3FFC];
	_ =	sdelay $0x3  }
0xc: {  	_ =	strace s3  }
0xd: {  	s3 =	sld [smem:$0x3FFD];
	_ =	sdelay $0x3  }
0xe: {  	_ =	strace s3  }
0xf: {  	_ =	strace $0x8FFFFFFF  }
0x10: {  	s20 =	sld [smem:$0x3FDB];
	_ =	sdelay $0x1  }
0x11: {  	s4 =	simm.s32 $_scs_section_size  }
0x12: {  	s5 =	simm.s32 $_size__tile_overlayer_lowered;
	s6 =	simm.s32 $_tile_overlayer_lowered  }
0x13: {  	s23 =	simm.s32 $0x1BFF;
	s22 =	sshll.u32 s6, $0x1;
	s3 =	sadd.s32 s4, s20  }
0x14: {  	s7 =	simm.s32 $0x0;
	s21 =	sshll.u32 s5, $0x1;
	s5 =	sadd.s32 s22, s3  }
0x15: {  	[timem:s7], [sflag:s23] =	dma.local [hbm:s5], s21  }
0x16: {  	_ =	swait.ge [sflag:s23], s21  }
0x17: {  	s4 =	ssub.s32 $0x0, s21;
	[sflag:s23] =	ssyncset.done $0x0  }
0x18: {  	[sflag:s23] =	ssyncadd.s32 s4;
	_ =	sdelay $0x1  }
0x19: {  	s24 =	simm.s32 $0x1B8B  }
0x1a: {  	_ =	swait.ge [sflag:s24], $0x1  }
0x1b: {  	[sflag:s24] =	ssyncset.done $0x0  }
0x1c: {  	s26 =	simm.s32 $0x1B8E;
	s25 =	sld [smem:$0x3FFE];
	[sflag:s24] =	ssyncadd.s32 $0xFFFFFFFF  }
0x1d: {  	s27 =	simm.s32 $execute0_lowered;
	[smem:$0x3FD2] =	sst s26  }
0x1e: {  	s5 =	sshll.u32 s27, $0x1;
	_ =	strace $0x80000049;
	[dreg:$0x1] =	wrdreg $0xFFFFFFFF  }
0x1f: {  	s28 =	simm.s32 $_size_execute0_lowered;
	s3 =	sadd.s32 s3, s5;
	[dreg:$0x0] =	wrdreg $0x0  }
0x20: {  	s5 =	sshll.u32 s28, $0x1;
	[dreg:$0x2] =	wrdreg s3  }
0x21: {  	[dreg:$0x3] =	wrdreg s5  }
0x22: {  	[dreg:$0x4] =	wrdreg $0xC0  }
0x23: {  	_ =	task [dreg:s7], $0x5FFFF  }
0x24: {  	[dreg:$0x1] =	wrdreg $0xFFFFFFFF  }
0x25: {  	[dreg:$0x0] =	wrdreg $0x60  }
0x26: {  	[dreg:$0x2] =	wrdreg s25  }
0x27: {  	[dreg:$0x3] =	wrdreg s2  }
0x28: {  	[dreg:$0x4] =	wrdreg $0x9  }
0x29: {  	_ =	task.clear_ibuf [dreg:s7], $0x5FFFF;
	_ =	strace $0x90000049  }
0x2a: {  	s29 =	simm.s32 $0x9;
	_ =	strace $0x8000004B  }
0x2b: {  	_ =	swait.ge [sflag:s29], $0x1  }
0x2c: {  	[sflag:s29] =	ssyncadd.s32 $0xFFFFFFFF  }
0x2d: {  	_ =	strace $0x9000004B  }
0x2e: {  	_ =	sfence  }
0x2f: {  	s30 =	sld [smem:$0x0];
	_ =	sdelay $0x2  }
0x30: {  	s31 =	sshll.u32 s1, $0xD;
	s1 =	sshrl.u32 s1, $0x2  }
0x31: {  	s3 =	sand.u32 $0x4000, s31;
	s1 =	sadd.s32 s1, s30  }
0x32: {  	s0 =	sor.u32 s3, s0;
	s1 =	sshll.u32 s1, $0x11  }
0x33: {  	s0 =	sor.u32 s1, s0  }
0x34: {  	s0 =	sadd.s32 $0x8F2B, s0  }
0x35: {  	[sflag:s0] =	ssyncadd.remote.s32 $0x1  }
0x36: {  	_ =	sfence.sel $0xFFFF  }
0x37: {  	[dreg:$0x0] =	wrdreg $0xFFFFFFFF;
	(pc) =	sbr.abs _section_cstart, $3  }
0x38: {  	[dreg:$0x1] =	wrdreg $0xFFFFFFFF  }
0x39: {  	_ =	task.clear_ibuf [dreg:s7], $0x2FFFF;
	_ =	strace $0x9FFFFFFF  }
0x3a: {  	(tm) =	ssettm $0x7FFFFFFF  }
0x3b: {  	_ =	shalt  }
tec
execute0_lowered:
.L_overlay_start_1:
0x0: {  	(tag) =	ssettag $0x1  }
0x1: {  	s0 =	stileid.u32;
	s4 =	rddreg [dreg:$0x0]  }
0x2: {  	s1 =	srdreg.scid;
	s3 =	rddreg [dreg:$0x1]  }
0x3: {  	s8 =	simm.s32 $0x2;
	s15 =	simm.s32 $0x0;
	s9 =	simm.s32 $0x8000  }
0x4: {  	s18 =	simm.s32 $0x0;
	s2 =	sshll.u32 s0, $0x5;
	s1 =	sshll.u32 s1, $0x9  }
0x5: {  	s16 =	simm.s32 $0x0;
	s17 =	simm.s32 $0x0;
	s1 =	sor.u32 s2, s1  }
0x6: {  	s10 =	simm.s32 $0x0;
	s11 =	simm.s32 $0x0;
	s2 =	sand.u32 $0x380, s1  }
0x7: {  	s14 =	simm.s32 $0x0;
	s4 =	sadd.s32 $0x1000, s4;
	s5 =	ssub.s32 $0x800, s2  }
0x8: {  	s1 =	rddreg [dreg:$0x2];
	_ =	strace $0x8000004A;
	s6 =	sand.u32 $0x380, s5  }
.Ltmp0:
0x9: {  	p0 =	sne.s32 s6, $0x0;
	s6 =	simm.s32 $0x1;
	(pc) =	sbr.rel .LBB1_1-.Ltmp0, $4  }
0xa: {  	s7 =	sshrl.u32 s5, $0xA;
	s5 =	simm.s32 $0x1;
	s6 =	simm.s32 @!p0 $0x0  }
0xb: {  	s12 =	smov.u32 s2;
	[sflag:s5] =	ssyncpa.u1 $0x0;
	s6 =	sadd.s32 s6, s7  }
0xc: {  	[sflag:s8] =	ssyncpa.u1 $0x0;
	s7 =	sand.u32 $0x3, s0;
	s6 =	sshll.u32 s6, $0x5  }
0xd: {  	p0 =	por $0x0, $0x0;
	s13 =	smov.u32 s7;
	s8 =	sor.u32 $0x1, s6  }
.LBB1_4:
0xe: {  	v5 =	vld [tilespmem:s21+$0xFFFFFFD0];
	[tilespmem:s22+$0x2040 ss:$0x81] =	vst.msk $0xffff, v1  }
0xf: {  	v58 =	vld [tilespmem:s21+$0xFFFFFFE0];
	[tilespmem:s22+$0x2850 ss:$0x81] =	vst.msk $0xffff, v3  }
0x10: {  	s23 =	sshra.s32 s23, $0x2;
	v59 =	vld [tilespmem:s21+$0xFFFFFFF0];
	[tilespmem:s22+$0x3060 ss:$0x81] =	vst.msk $0xffff, v4  }
0x11: {  	v60 =	vld [tilespmem:s21+$0x0];
	[tilespmem:s22+$0x0 ss:$0x81] =	vst.msk $0xffff, v0;
	s20 =	sadd.s32 s23, s20  }
0x12: {  	s25 =	sshll.u32 s16, $0x3;
	v61 =	vld [tilespmem:s21+$0x10];
	s26 =	sand.u32 $0x78, s16;
	s27 =	sshll.u32 s18, $0xB;
	[tilespmem:s20+$0x3870 ss:$0x81] =	vst.msk $0xffff, v2  }
0x13: {  	v62 =	vld [tilespmem:s21+$0x20];
	s28 =	sshll.u32 s18, $0x7;
	s17 =	sshll.u32 s17, $0x14;
	s15 =	sshll.u32 s15, $0xC;
	[tilespmem:s20+$0x810 ss:$0x81] =	vst.msk $0xffff, v5  }
0x14: {  	v63 =	vld [tilespmem:s21+$0xFFFFFFC0];
	s30 =	sand.u32 $0x7, s16;
	s29 =	sand.u32 $0x4000, s27;
	s22 =	sand.u32 $0x7C00, s25;
	[tilespmem:s20+$0x1020 ss:$0x81] =	vst.msk $0xffff, v58  }
0x15: {  	s24 =	sand.u32 $0x400, s25;
	s18 =	sand.u32 $0x380, s28;
	s21 =	sadd.s32 s22, s29;
	[tilespmem:s20+$0x1830 ss:$0x81] =	vst.msk $0xffff, v59  }
0x16: {  	s17 =	sadd.s32 s3, s17;
	s23 =	sor.u32 s26, s24;
	s21 =	sshrl.u32 s21, $0x3;
	[tilespmem:s20+$0x2040 ss:$0x81] =	vst.msk $0xffff, v60  }
0x17: {  	s15 =	sadd.s32 s15, s17;
	s18 =	sor.u32 s18, s23;
	s21 =	sand.u32 $0xF00, s21;
	[tilespmem:s20+$0x2850 ss:$0x81] =	vst.msk $0xffff, v61  }
0x18: {  	s16 =	sshll.u32 s30, $0x12;
	s31 =	sshrl.u32 s18, $0x3;
	[tilespmem:s20+$0x3060 ss:$0x81] =	vst.msk $0xffff, v62;
	s15 =	sadd.s32 s21, s15  }
0x19: {  	s16 =	sor.u32 $0x80, s16;
	[tilespmem:s20+$0x0 ss:$0x81] =	vst.msk $0xffff, v63;
	s15 =	sadd.s32 s31, s15  }
0x1a: {  	[hbm4b:s15+s16] =	stream.strided.scatter [tilespmem:s19], [sflag:$0x2], $0x4000, s9, s16, $0x20;
	[tilespmem:$0x10100] =	vst v63  }
.LBB1_5:
0x1b: {  	s19 =	sadd.s32 $0x80, s10  }
0x1c: {  	s15 =	simm.s32 $0x1;
	p2 =	sgt.s32 s19, $0xFF  }
0x1d: {  	s15 =	simm.s32 @!p2 $0x0  }
0x1e: {  	s20 =	sadd.s32 s15, s11  }
0x1f: {  	s21 =	smov.u32 s12;
	s15 =	sadd.s32 $0x400, s12;
	p3 =	sgt.s32 s20, $0xF  }
0x20: {  	s21 =	smov.u32 @p3 s15  }
0x21: {  	s22 =	smov.u32 s13;
	s15 =	sadd.s32 $0x4, s13;
	p4 =	sgt.s32 s21, $0x7FF  }
0x22: {  	p1 =	slt.u32 s14, $0x2;
	s22 =	smov.u32 @p4 s15  }
0x23: {  	s18 =	smov.u32 s11;
	s19 =	simm.s32 @p2 $0x0;
	p2 =	sgt.s32 s22, $0x3  }
0x24: {  	s23 =	simm.s32 @!p1 $0x2;
	s22 =	smov.u32 @p2 s7;
	p2 =	sne.s32 s14, s8  }
.Ltmp1:
0x25: {  	s16 =	smov.u32 s12;
	_ =	swait.ge @!p1 [sflag:s23], $0x4000;
	(pc) =	sbr.rel @!p2 .LBB1_6-.Ltmp1, $4  }
0x26: {  	s17 =	smov.u32 s13;
	[sflag:s23] =	ssyncset.done @!p1 $0x0;
	s20 =	simm.s32 @p3 $0x0  }
0x27: {  	p0 =	por !p0, !p0;
	[sflag:s23] =	ssyncadd.s32 @!p1 $0xFFFFC000;
	s11 =	smov.u32 s20  }
0x28: {  	s21 =	smov.u32 @p4 s2;
	s15 =	smov.u32 s10;
	s10 =	smov.u32 s19  }
0x29: {  	s12 =	smov.u32 s21;
	s14 =	sadd.s32 $0x1, s14;
	s13 =	smov.u32 s22  }
.LBB1_1:
0x2a: {  	p1 =	sge.u32 s14, s6;
	s31 =	sadd.s32 $0xFFFFFFFF, s14  }
0x2b: {  	s19 =	sxor.u32 @!p1 $0xFFFFFFFF, s14;
	s20 =	sand.u32 @!p1 $0x78, s10;
	s21 =	sshll.u32 @!p1 s11, $0x8  }
0x2c: {  	s22 =	sshll.u32 @!p1 s10, $0x3;
	s23 =	sshll.u32 @!p1 s11, $0x7;
	s19 =	sshll.u32 @!p1 s19, $0xE  }
0x2d: {  	s21 =	sand.u32 @!p1 $0x800, s21;
	s22 =	sand.u32 @!p1 $0xC00, s22;
	s19 =	sand.u32 @!p1 $0x4000, s19  }
0x2e: {  	s21 =	sadd.s32 @!p1 s21, s22;
	s22 =	sand.u32 @!p1 $0x300, s23;
	s23 =	sand.u32 @!p1 $0x80, s23  }
0x2f: {  	s21 =	sor.u32 @!p1 s22, s21;
	s20 =	sor.u32 @!p1 s20, s23;
	s22 =	sshll.u32 @!p1 s13, $0x14  }
0x30: {  	s23 =	sshll.u32 @!p1 s12, $0x9;
	s21 =	sshrl.u32 @!p1 s21, $0x3;
	s22 =	sadd.s32 @!p1 s4, s22  }
0x31: {  	s20 =	sshrl.u32 @!p1 s20, $0x3;
	s22 =	sadd.s32 @!p1 s23, s22;
	s23 =	sand.u32 @!p1 $0x7, s10  }
0x32: {  	s21 =	sand.u32 @!p1 $0x1E0, s21;
	s20 =	sadd.s32 @!p1 s20, s22;
	s22 =	sshll.u32 @!p1 s23, $0x12  }
0x33: {  	s20 =	sadd.s32 @!p1 s21, s20;
	s21 =	sor.u32 @!p1 $0x80, s22;
	s22 =	simm.s32 @!p1 $0x1000  }
0x34: {  	[tilespmem:s19], [sflag:$0x1] =	stream.strided.gather @!p1 [hbm4b:s20+s21], $0x4000, s22, s21, $0x38;
	[tilespmem:$0x10100] =	vst v63  }
0x35: {  	p1 =	sge.u32 s31, s6  }
.Ltmp2:
0x36: {  	_ = 	snop;
	(pc) =	sbr.rel @p1 .LBB1_5-.Ltmp2, $1  }
0x37: {  	_ =	sdelay $0x3  }
0x38: {  	s19 =	simm.s32 $0x1  }
0x39: {  	_ =	swait.ge [sflag:s5], $0x4000;
	s19 =	simm.s32 @!p0 $0x0  }
0x3a: {  	[sflag:s5] =	ssyncset.done $0x0;
	s20 =	sshll.u32 s19, $0xE  }
0x3b: {  	[sflag:s5] =	ssyncadd.s32 $0xFFFFC000;
	s21 =	sor.u32 $0x40, s20  }
0x3c: {  	s19 =	smul.u32 $0x10200, s19;
	v0 =	vld [tilespmem:s21+$0x30]  }
0x3d: {  	v2 =	vld [tilespmem:s21+$0xFFFFFFD0]  }
0x3e: {  	s19 =	sshrl.u32 s19, $0x2;
	v5 =	vld [tilespmem:s21+$0xFFFFFFE0]  }
0x3f: {  	v6 =	vld [tilespmem:s21+$0xFFFFFFF0];
	s20 =	sor.u32 $0x8000, s19  }
0x40: {  	s31 =	sand.u32 $0x1, s14;
	v1 =	vld [tilespmem:s21+$0x0];
	s22 =	sadd.s32 $0x0, s20  }
0x41: {  	v3 =	vld [tilespmem:s21+$0x10];
	s19 =	smul.u32 $0x10200, s31;
	[tilespmem:s22+$0x3870 ss:$0x81] =	vst.msk $0xffff, v0  }
0x42: {  	v4 =	vld [tilespmem:s21+$0x20];
	[tilespmem:s22+$0x810 ss:$0x81] =	vst.msk $0xffff, v2  }
0x43: {  	s19 =	sshrl.u32 s19, $0x2;
	v0 =	vld [tilespmem:s21+$0xFFFFFFC0];
	[tilespmem:s22+$0x1020 ss:$0x81] =	vst.msk $0xffff, v5;
	s21 =	sadd.s32 $0x80, s21  }
0x44: {  	s23 =	simm.s32 $0x4;
	s24 =	simm.s32 $0x8;
	s19 =	sor.u32 $0x8000, s19;
	[tilespmem:s22+$0x1830 ss:$0x81] =	vst.msk $0xffff, v6;
	v2 =	vld [tilespmem:s21+$0x30]  }
.LBB1_3:
0x45: {  	p1 =	sne.s32 s24, $0x1FC;
	v5 =	vld [tilespmem:s21+$0xFFFFFFD0];
	[tilespmem:s22+$0x2040 ss:$0x81] =	vst.msk $0xffff, v1  }
0x46: {  	v6 =	vld [tilespmem:s21+$0xFFFFFFE0];
	[tilespmem:s22+$0x2850 ss:$0x81] =	vst.msk $0xffff, v3  }
0x47: {  	s25 =	sshra.s32 s23, $0x2;
	s23 =	smov.u32 s24;
	v7 =	vld [tilespmem:s21+$0xFFFFFFF0];
	[tilespmem:s22+$0x3060 ss:$0x81] =	vst.msk $0xffff, v4  }
.Ltmp3:
0x48: {  	v1 =	vld [tilespmem:s21+$0x0];
	[tilespmem:s22+$0x0 ss:$0x81] =	vst.msk $0xffff, v0;
	s22 =	sadd.s32 s25, s20;
	(pc) =	sbr.rel @p1 .LBB1_3-.Ltmp3, $4  }
0x49: {  	v3 =	vld [tilespmem:s21+$0x10];
	[tilespmem:s22+$0x3870 ss:$0x81] =	vst.msk $0xffff, v2  }
0x4a: {  	[tilespmem:s22+$0x810 ss:$0x81] =	vst.msk $0xffff, v5;
	v4 =	vld [tilespmem:s21+$0x20]  }
0x4b: {  	v0 =	vld [tilespmem:s21+$0xFFFFFFC0];
	[tilespmem:s22+$0x1020 ss:$0x81] =	vst.msk $0xffff, v6;
	s21 =	sadd.s32 $0x80, s21  }
0x4c: {  	s24 =	sadd.s32 $0x4, s24;
	v2 =	vld [tilespmem:s21+$0x30];
	[tilespmem:s22+$0x1830 ss:$0x81] =	vst.msk $0xffff, v7  }
.Ltmp4:
0x4d: {  	_ = 	snop;
	(pc) =	sbr.rel .LBB1_4-.Ltmp4, $1  }
0x4e: {  	_ =	sdelay $0x3  }
.LBB1_6:
0x4f: {  	_ =	sfence.sel $0x180000  }
0x50: {  	s2 =	simm.s32 $0x1;
	[bflag:$0x0] =	sbarrier.arrive $0xFFFF  }
0x51: {  	s31 =	simm.s32 $0x2;
	[sflag:s2] =	ssyncpa.u1 $0x1  }
0x52: {  	[sflag:s31] =	ssyncpa.u1 $0x1  }
0x53: {  	p0 =	sne.s32 s0, $0x0;
	_ =	strace $0x9000004A  }
0x54: {  	s0 =	sadd.s32 @!p0 $0x100000, s1;
	[bflag:$0x2] =	sbarrier.arrive $0xFFFF  }
0x55: {  	[sflag:s0] =	ssyncadd.tile.s32 @!p0 $0x1;
	_ =	shalt  }
.Lfunc_end1:
_tile_overlayer_lowered:
.L_overlay_start_2:
0x56: {  	(tag) =	ssettag $0x2  }
0x57: {  	s0 =	rddreg [dreg:$0x0];
	s2 =	stileid.u32  }
0x58: {  	s1 =	rddreg [dreg:$0x1];
	p0 =	sne.s32 s2, $0x0  }
0x59: {  	s3 =	rddreg [dreg:$0x2];
	[bflag:$0x3] =	sbarrier.arrive $0xFFFF;
	s2 =	simm.s32 @!p0 $0x1C01  }
0x5a: {  	[timem:s3], [sflag:s2] =	dma.local @!p0 [hbm:s0], s1  }
0x5b: {  	s0 =	simm.s32 @!p0 $0x1  }
0x5c: {  	_ =	swait.ge @!p0 [sflag:s0], s1  }
0x5d: {  	s1 =	ssub.s32 @!p0 $0x0, s1;
	[sflag:s0] =	ssyncset.done @!p0 $0x0  }
0x5e: {  	[sflag:s0] =	ssyncadd.s32 @!p0 s1  }
0x5f: {  	[bflag:$0x3] =	sbarrier.arrive $0xFFFF  }
0x60: {  	_ =	shalt  }

</sc_bundles>
